<compile_context>
chip_gen: v7x
topology: tpu7x:2x2x1
jax: 0.10.2.dev20260603
libtpu: 0.0.44.dev20260713+nightly
codegen_flags: <defaults>
</compile_context>

<pallas_src>
import functools

import jax
import jax.numpy as jnp
from jax import lax
from jax.experimental import pallas as pl
from jax.experimental.pallas import tpu as pltpu
from jax.experimental.pallas import tpu_sc as plsc

DIM = 64
PDIM = 128
BATCH = 4
SEQ = 8192
NTOK = BATCH * SEQ
NW = 32
BPW = NTOK // NW
NB = 4
CH = 128
NCH = BPW // CH

_mesh = plsc.VectorSubcoreMesh(core_axis_name="c", subcore_axis_name="s")


@functools.partial(
    pl.kernel,
    mesh=_mesh,
    out_type=jax.ShapeDtypeStruct((NTOK, PDIM), jnp.float32),
    scratch_types=(
        [pltpu.VMEM((CH,), jnp.int32) for _ in range(NB)]
        + [pltpu.VMEM((CH, PDIM), jnp.float32) for _ in range(NB)]
        + [pltpu.SemaphoreType.DMA for _ in range(3 * NB)]
    ),
)
def _embed(ids_hbm, tok_hbm, pos_hbm, out_hbm, *bufsems):
    idx = bufsems[:NB]
    rows = bufsems[NB:2 * NB]
    sem_pos = bufsems[2 * NB:3 * NB]
    sem_tok = bufsems[3 * NB:4 * NB]
    sem_out = bufsems[4 * NB:]
    wid = lax.axis_index("s") * 2 + lax.axis_index("c")
    base = wid * BPW
    pos_base = lax.rem(base, SEQ)

    pos_dma = [None] * NCH
    tok_dma = [None] * NCH
    out_dma = [None] * NCH
    for c in range(NB):
        pos_dma[c] = pltpu.async_copy(
            pos_hbm.at[pl.ds(pos_base + c * CH, CH)], rows[c % NB],
            sem_pos[c % NB])
        pltpu.sync_copy(ids_hbm.at[pl.ds(base + c * CH, CH)], idx[c % NB])
    for c in range(NCH):
        if c >= NB:
            out_dma[c - NB].wait()
            pos_dma[c] = pltpu.async_copy(
                pos_hbm.at[pl.ds(pos_base + c * CH, CH)], rows[c % NB],
                sem_pos[c % NB])
            pltpu.sync_copy(ids_hbm.at[pl.ds(base + c * CH, CH)], idx[c % NB])
        pos_dma[c].wait()
        tok_dma[c] = pltpu.async_copy(
            tok_hbm.at[idx[c % NB]], rows[c % NB],
            sem_tok[c % NB], add=True)
        tok_dma[c].wait()
        out_dma[c] = pltpu.async_copy(
            rows[c % NB], out_hbm.at[pl.ds(base + c * CH, CH)],
            sem_out[c % NB])
    for c in range(NCH - NB, NCH):
        out_dma[c].wait()


def kernel(input_ids, token_table, pos_table):
    ids = input_ids.reshape(NTOK).astype(jnp.int32)
    tok128 = jnp.pad(token_table, ((0, 0), (0, PDIM - DIM)))
    pos128 = jnp.pad(pos_table, ((0, 0), (0, PDIM - DIM)))
    out = _embed(ids, tok128, pos128)
    return out[:, :DIM].reshape(BATCH, SEQ, DIM)

# --- scband reference (transcript-rebuilt; emitter-appended) ---
"""Pipeline reference for scband-embedding-7550552507004 (READ-ONLY COPY).

The authoritative reference and input builder live on the scoring server;
editing this copy changes nothing except your own understanding.
"""

import jax, jax.numpy as jnp
import numpy as np

VOCAB = 100000
DIM = 64
MAX_SEQ_LEN = 8192
BATCH = 4
SEQ = 8192

def setup_inputs(seed: int = 0) -> dict:
    key = jax.random.key(seed)
    k1, k2, k3 = jax.random.split(key, 3)
    input_ids = jax.random.randint(k1, (BATCH, SEQ), 0, VOCAB, dtype=jnp.int64 if jax.config.jax_enable_x64 else jnp.int32)
    token_table = jax.random.normal(k2, (VOCAB, DIM), dtype=jnp.float32)
    pos_table = jax.random.normal(k3, (MAX_SEQ_LEN, DIM), dtype=jnp.float32)
    return {"input_ids": input_ids, "token_table": token_table, "pos_table": pos_table}

def reference(input_ids, token_table, pos_table):
    # token embedding: gather rows from token_table
    x = jnp.take(token_table, input_ids, axis=0)  # [B, S, D]
    # positional embedding: arange over seq_len, gather from pos_table
    t = jnp.arange(input_ids.shape[1])
    pos = jnp.take(pos_table, t, axis=0).astype(x.dtype)  # [S, D]
    return x + pos[None, :, :]

if __name__ == "__main__":
    import jax
    _d = setup_inputs()
    print(jax.jit(kernel)(*tuple(_d.values())))

</pallas_src>

<mosaic_0001>
#map = affine_map<(d0, d1) -> (0)>
#map1 = affine_map<(d0, d1) -> (0, 0)>
module attributes {stable_mosaic.version = 14 : i64} {
  func.func @_embed(%arg0: i32, %arg1: i32, %arg2: memref<32768xi32, #tpu.memory_space<hbm>>, %arg3: memref<100000x128xf32, #tpu.memory_space<hbm>>, %arg4: memref<8192x128xf32, #tpu.memory_space<hbm>>, %arg5: memref<32768x128xf32, #tpu.memory_space<hbm>>, %arg6: memref<128xi32, #tpu.memory_space<vmem>>, %arg7: memref<128xi32, #tpu.memory_space<vmem>>, %arg8: memref<128xi32, #tpu.memory_space<vmem>>, %arg9: memref<128xi32, #tpu.memory_space<vmem>>, %arg10: memref<128x128xf32, #tpu.memory_space<vmem>>, %arg11: memref<128x128xf32, #tpu.memory_space<vmem>>, %arg12: memref<128x128xf32, #tpu.memory_space<vmem>>, %arg13: memref<128x128xf32, #tpu.memory_space<vmem>>, %arg14: memref<!tpu.dma_semaphore, #tpu.memory_space<semaphore_mem>>, %arg15: memref<!tpu.dma_semaphore, #tpu.memory_space<semaphore_mem>>, %arg16: memref<!tpu.dma_semaphore, #tpu.memory_space<semaphore_mem>>, %arg17: memref<!tpu.dma_semaphore, #tpu.memory_space<semaphore_mem>>, %arg18: memref<!tpu.dma_semaphore, #tpu.memory_space<semaphore_mem>>, %arg19: memref<!tpu.dma_semaphore, #tpu.memory_space<semaphore_mem>>, %arg20: memref<!tpu.dma_semaphore, #tpu.memory_space<semaphore_mem>>, %arg21: memref<!tpu.dma_semaphore, #tpu.memory_space<semaphore_mem>>, %arg22: memref<!tpu.dma_semaphore, #tpu.memory_space<semaphore_mem>>, %arg23: memref<!tpu.dma_semaphore, #tpu.memory_space<semaphore_mem>>, %arg24: memref<!tpu.dma_semaphore, #tpu.memory_space<semaphore_mem>>, %arg25: memref<!tpu.dma_semaphore, #tpu.memory_space<semaphore_mem>>) attributes {dimension_semantics = [#tpu.dimension_semantics<core_parallel>, #tpu.dimension_semantics<subcore_parallel>], iteration_bounds = array<i64: 2, 16>, scalar_prefetch = 0 : i64, scratch_operands = 20 : i64, tpu.core_type = #tpu.core_type<sc_vector_subcore>, window_params = [{transform_indices = #map}, {transform_indices = #map1}, {transform_indices = #map1}, {transform_indices = #map1}]} {
    %mul3A = arith.constant 2 : i32
    %mul3A_0 = arith.muli %arg1, %mul3A : i32
    %add3A = arith.addi %mul3A_0, %arg0 : i32
    %mul3A_1 = arith.constant 1024 : i32
    %mul3A_2 = arith.muli %add3A, %mul3A_1 : i32
    %rem3A = arith.constant 8192 : i32
    %rem3A_3 = arith.remsi %mul3A_2, %rem3A : i32
    %add3A_4 = arith.constant 0 : i32
    %add3A_5 = arith.addi %rem3A_3, %add3A_4 : i32
    %dma_start3A = arith.constant 0 : i32
    %dma_start3A_6 = tpu.memref_slice %arg4[%add3A_5, %dma_start3A] : memref<8192x128xf32, #tpu.memory_space<hbm>> -> memref<128x128xf32, #tpu.memory_space<hbm>>
    %dma_start3A_7 = arith.constant 0 : i32
    %dma_start3A_8 = tpu.memref_slice %arg4[%add3A_5, %dma_start3A_7] : memref<8192x128xf32, #tpu.memory_space<hbm>> -> memref<128x128xf32, #tpu.memory_space<hbm>>
    tpu.enqueue_dma source(%dma_start3A_8 : memref<128x128xf32, #tpu.memory_space<hbm>>) target(%arg10 : memref<128x128xf32, #tpu.memory_space<vmem>>) target_semaphore(%arg14 : memref<!tpu.dma_semaphore, #tpu.memory_space<semaphore_mem>>)
    %add3A_9 = arith.constant 0 : i32
    %add3A_10 = arith.addi %mul3A_2, %add3A_9 : i32
    "tpu.region"() ({
      %run_scoped3A = tpu.sem_alloc : memref<!tpu.dma_semaphore, #tpu.memory_space<semaphore_mem>>
      %dma_start3A_226 = tpu.memref_slice %arg2[%add3A_10] : memref<32768xi32, #tpu.memory_space<hbm>> -> memref<128xi32, #tpu.memory_space<hbm>>
      %dma_start3A_227 = tpu.memref_slice %arg2[%add3A_10] : memref<32768xi32, #tpu.memory_space<hbm>> -> memref<128xi32, #tpu.memory_space<hbm>>
      tpu.enqueue_dma source(%dma_start3A_227 : memref<128xi32, #tpu.memory_space<hbm>>) target(%arg6 : memref<128xi32, #tpu.memory_space<vmem>>) target_semaphore(%run_scoped3A : memref<!tpu.dma_semaphore, #tpu.memory_space<semaphore_mem>>)
      %dma_wait3A_228 = tpu.memref_slice %arg2[%add3A_10] : memref<32768xi32, #tpu.memory_space<hbm>> -> memref<128xi32, #tpu.memory_space<hbm>>
      %dma_wait3A_229 = tpu.memref_slice %arg2[%add3A_10] : memref<32768xi32, #tpu.memory_space<hbm>> -> memref<128xi32, #tpu.memory_space<hbm>>
      tpu.wait_dma2 semaphore(%run_scoped3A : memref<!tpu.dma_semaphore, #tpu.memory_space<semaphore_mem>>) src(%dma_wait3A_229 : memref<128xi32, #tpu.memory_space<hbm>>) dst(%arg6 : memref<128xi32, #tpu.memory_space<vmem>>)
      tpu.yield
    }) : () -> ()
    %add3A_11 = arith.constant 128 : i32
    %add3A_12 = arith.addi %rem3A_3, %add3A_11 : i32
    %dma_start3A_13 = arith.constant 0 : i32
    %dma_start3A_14 = tpu.memref_slice %arg4[%add3A_12, %dma_start3A_13] : memref<8192x128xf32, #tpu.memory_space<hbm>> -> memref<128x128xf32, #tpu.memory_space<hbm>>
    %dma_start3A_15 = arith.constant 0 : i32
    %dma_start3A_16 = tpu.memref_slice %arg4[%add3A_12, %dma_start3A_15] : memref<8192x128xf32, #tpu.memory_space<hbm>> -> memref<128x128xf32, #tpu.memory_space<hbm>>
    tpu.enqueue_dma source(%dma_start3A_16 : memref<128x128xf32, #tpu.memory_space<hbm>>) target(%arg11 : memref<128x128xf32, #tpu.memory_space<vmem>>) target_semaphore(%arg15 : memref<!tpu.dma_semaphore, #tpu.memory_space<semaphore_mem>>)
    %add3A_17 = arith.constant 128 : i32
    %add3A_18 = arith.addi %mul3A_2, %add3A_17 : i32
    "tpu.region"() ({
      %run_scoped3A = tpu.sem_alloc : memref<!tpu.dma_semaphore, #tpu.memory_space<semaphore_mem>>
      %dma_start3A_226 = tpu.memref_slice %arg2[%add3A_18] : memref<32768xi32, #tpu.memory_space<hbm>> -> memref<128xi32, #tpu.memory_space<hbm>>
      %dma_start3A_227 = tpu.memref_slice %arg2[%add3A_18] : memref<32768xi32, #tpu.memory_space<hbm>> -> memref<128xi32, #tpu.memory_space<hbm>>
      tpu.enqueue_dma source(%dma_start3A_227 : memref<128xi32, #tpu.memory_space<hbm>>) target(%arg7 : memref<128xi32, #tpu.memory_space<vmem>>) target_semaphore(%run_scoped3A : memref<!tpu.dma_semaphore, #tpu.memory_space<semaphore_mem>>)
      %dma_wait3A_228 = tpu.memref_slice %arg2[%add3A_18] : memref<32768xi32, #tpu.memory_space<hbm>> -> memref<128xi32, #tpu.memory_space<hbm>>
      %dma_wait3A_229 = tpu.memref_slice %arg2[%add3A_18] : memref<32768xi32, #tpu.memory_space<hbm>> -> memref<128xi32, #tpu.memory_space<hbm>>
      tpu.wait_dma2 semaphore(%run_scoped3A : memref<!tpu.dma_semaphore, #tpu.memory_space<semaphore_mem>>) src(%dma_wait3A_229 : memref<128xi32, #tpu.memory_space<hbm>>) dst(%arg7 : memref<128xi32, #tpu.memory_space<vmem>>)
      tpu.yield
    }) : () -> ()
    %add3A_19 = arith.constant 256 : i32
    %add3A_20 = arith.addi %rem3A_3, %add3A_19 : i32
    %dma_start3A_21 = arith.constant 0 : i32
    %dma_start3A_22 = tpu.memref_slice %arg4[%add3A_20, %dma_start3A_21] : memref<8192x128xf32, #tpu.memory_space<hbm>> -> memref<128x128xf32, #tpu.memory_space<hbm>>
    %dma_start3A_23 = arith.constant 0 : i32
    %dma_start3A_24 = tpu.memref_slice %arg4[%add3A_20, %dma_start3A_23] : memref<8192x128xf32, #tpu.memory_space<hbm>> -> memref<128x128xf32, #tpu.memory_space<hbm>>
    tpu.enqueue_dma source(%dma_start3A_24 : memref<128x128xf32, #tpu.memory_space<hbm>>) target(%arg12 : memref<128x128xf32, #tpu.memory_space<vmem>>) target_semaphore(%arg16 : memref<!tpu.dma_semaphore, #tpu.memory_space<semaphore_mem>>)
    %add3A_25 = arith.constant 256 : i32
    %add3A_26 = arith.addi %mul3A_2, %add3A_25 : i32
    "tpu.region"() ({
      %run_scoped3A = tpu.sem_alloc : memref<!tpu.dma_semaphore, #tpu.memory_space<semaphore_mem>>
      %dma_start3A_226 = tpu.memref_slice %arg2[%add3A_26] : memref<32768xi32, #tpu.memory_space<hbm>> -> memref<128xi32, #tpu.memory_space<hbm>>
      %dma_start3A_227 = tpu.memref_slice %arg2[%add3A_26] : memref<32768xi32, #tpu.memory_space<hbm>> -> memref<128xi32, #tpu.memory_space<hbm>>
      tpu.enqueue_dma source(%dma_start3A_227 : memref<128xi32, #tpu.memory_space<hbm>>) target(%arg8 : memref<128xi32, #tpu.memory_space<vmem>>) target_semaphore(%run_scoped3A : memref<!tpu.dma_semaphore, #tpu.memory_space<semaphore_mem>>)
      %dma_wait3A_228 = tpu.memref_slice %arg2[%add3A_26] : memref<32768xi32, #tpu.memory_space<hbm>> -> memref<128xi32, #tpu.memory_space<hbm>>
      %dma_wait3A_229 = tpu.memref_slice %arg2[%add3A_26] : memref<32768xi32, #tpu.memory_space<hbm>> -> memref<128xi32, #tpu.memory_space<hbm>>
      tpu.wait_dma2 semaphore(%run_scoped3A : memref<!tpu.dma_semaphore, #tpu.memory_space<semaphore_mem>>) src(%dma_wait3A_229 : memref<128xi32, #tpu.memory_space<hbm>>) dst(%arg8 : memref<128xi32, #tpu.memory_space<vmem>>)
      tpu.yield
    }) : () -> ()
    %add3A_27 = arith.constant 384 : i32
    %add3A_28 = arith.addi %rem3A_3, %add3A_27 : i32
    %dma_start3A_29 = arith.constant 0 : i32
    %dma_start3A_30 = tpu.memref_slice %arg4[%add3A_28, %dma_start3A_29] : memref<8192x128xf32, #tpu.memory_space<hbm>> -> memref<128x128xf32, #tpu.memory_space<hbm>>
    %dma_start3A_31 = arith.constant 0 : i32
    %dma_start3A_32 = tpu.memref_slice %arg4[%add3A_28, %dma_start3A_31] : memref<8192x128xf32, #tpu.memory_space<hbm>> -> memref<128x128xf32, #tpu.memory_space<hbm>>
    tpu.enqueue_dma source(%dma_start3A_32 : memref<128x128xf32, #tpu.memory_space<hbm>>) target(%arg13 : memref<128x128xf32, #tpu.memory_space<vmem>>) target_semaphore(%arg17 : memref<!tpu.dma_semaphore, #tpu.memory_space<semaphore_mem>>)
    %add3A_33 = arith.constant 384 : i32
    %add3A_34 = arith.addi %mul3A_2, %add3A_33 : i32
    "tpu.region"() ({
      %run_scoped3A = tpu.sem_alloc : memref<!tpu.dma_semaphore, #tpu.memory_space<semaphore_mem>>
      %dma_start3A_226 = tpu.memref_slice %arg2[%add3A_34] : memref<32768xi32, #tpu.memory_space<hbm>> -> memref<128xi32, #tpu.memory_space<hbm>>
      %dma_start3A_227 = tpu.memref_slice %arg2[%add3A_34] : memref<32768xi32, #tpu.memory_space<hbm>> -> memref<128xi32, #tpu.memory_space<hbm>>
      tpu.enqueue_dma source(%dma_start3A_227 : memref<128xi32, #tpu.memory_space<hbm>>) target(%arg9 : memref<128xi32, #tpu.memory_space<vmem>>) target_semaphore(%run_scoped3A : memref<!tpu.dma_semaphore, #tpu.memory_space<semaphore_mem>>)
      %dma_wait3A_228 = tpu.memref_slice %arg2[%add3A_34] : memref<32768xi32, #tpu.memory_space<hbm>> -> memref<128xi32, #tpu.memory_space<hbm>>
      %dma_wait3A_229 = tpu.memref_slice %arg2[%add3A_34] : memref<32768xi32, #tpu.memory_space<hbm>> -> memref<128xi32, #tpu.memory_space<hbm>>
      tpu.wait_dma2 semaphore(%run_scoped3A : memref<!tpu.dma_semaphore, #tpu.memory_space<semaphore_mem>>) src(%dma_wait3A_229 : memref<128xi32, #tpu.memory_space<hbm>>) dst(%arg9 : memref<128xi32, #tpu.memory_space<vmem>>)
      tpu.yield
    }) : () -> ()
    %dma_wait3A = arith.constant 0 : i32
    %dma_wait3A_35 = tpu.memref_slice %arg4[%add3A_5, %dma_wait3A] : memref<8192x128xf32, #tpu.memory_space<hbm>> -> memref<128x128xf32, #tpu.memory_space<hbm>>
    %dma_wait3A_36 = arith.constant 0 : i32
    %dma_wait3A_37 = tpu.memref_slice %arg4[%add3A_5, %dma_wait3A_36] : memref<8192x128xf32, #tpu.memory_space<hbm>> -> memref<128x128xf32, #tpu.memory_space<hbm>>
    tpu.wait_dma2 semaphore(%arg14 : memref<!tpu.dma_semaphore, #tpu.memory_space<semaphore_mem>>) src(%dma_wait3A_37 : memref<128x128xf32, #tpu.memory_space<hbm>>) dst(%arg10 : memref<128x128xf32, #tpu.memory_space<vmem>>)
    %dma_start3A_38 = arith.constant 0 : i32
    %dma_start3A_39 = arith.constant 0 : i32
    %dma_start3A_40 = tpu.memref_slice %arg3[%dma_start3A_38, %dma_start3A_39] : memref<100000x128xf32, #tpu.memory_space<hbm>> -> memref<100000x128xf32, #tpu.memory_space<hbm>>
    tpu.enqueue_indirect_dma source(%dma_start3A_40 : memref<100000x128xf32, #tpu.memory_space<hbm>>) target(%arg10 : memref<128x128xf32, #tpu.memory_space<vmem>>) offsets(%arg6 : memref<128xi32, #tpu.memory_space<vmem>>) semaphore(%arg18 : memref<!tpu.dma_semaphore, #tpu.memory_space<semaphore_mem>>) {add = true}
    %dma_wait3A_41 = arith.constant 0 : i32
    %dma_wait3A_42 = arith.constant 0 : i32
    %dma_wait3A_43 = tpu.memref_slice %arg3[%dma_wait3A_41, %dma_wait3A_42] : memref<100000x128xf32, #tpu.memory_space<hbm>> -> memref<100000x128xf32, #tpu.memory_space<hbm>>
    tpu.wait_indirect_dma semaphore(%arg18 : memref<!tpu.dma_semaphore, #tpu.memory_space<semaphore_mem>>) src(%dma_wait3A_43 : memref<100000x128xf32, #tpu.memory_space<hbm>>) dst(%arg10 : memref<128x128xf32, #tpu.memory_space<vmem>>)
    %add3A_44 = arith.constant 0 : i32
    %add3A_45 = arith.addi %mul3A_2, %add3A_44 : i32
    %dma_start3A_46 = arith.constant 0 : i32
    %dma_start3A_47 = tpu.memref_slice %arg5[%add3A_45, %dma_start3A_46] : memref<32768x128xf32, #tpu.memory_space<hbm>> -> memref<128x128xf32, #tpu.memory_space<hbm>>
    %dma_start3A_48 = arith.constant 0 : i32
    %dma_start3A_49 = tpu.memref_slice %arg5[%add3A_45, %dma_start3A_48] : memref<32768x128xf32, #tpu.memory_space<hbm>> -> memref<128x128xf32, #tpu.memory_space<hbm>>
    tpu.enqueue_dma source(%arg10 : memref<128x128xf32, #tpu.memory_space<vmem>>) target(%dma_start3A_49 : memref<128x128xf32, #tpu.memory_space<hbm>>) target_semaphore(%arg22 : memref<!tpu.dma_semaphore, #tpu.memory_space<semaphore_mem>>)
    %dma_wait3A_50 = arith.constant 0 : i32
    %dma_wait3A_51 = tpu.memref_slice %arg4[%add3A_12, %dma_wait3A_50] : memref<8192x128xf32, #tpu.memory_space<hbm>> -> memref<128x128xf32, #tpu.memory_space<hbm>>
    %dma_wait3A_52 = arith.constant 0 : i32
    %dma_wait3A_53 = tpu.memref_slice %arg4[%add3A_12, %dma_wait3A_52] : memref<8192x128xf32, #tpu.memory_space<hbm>> -> memref<128x128xf32, #tpu.memory_space<hbm>>
    tpu.wait_dma2 semaphore(%arg15 : memref<!tpu.dma_semaphore, #tpu.memory_space<semaphore_mem>>) src(%dma_wait3A_53 : memref<128x128xf32, #tpu.memory_space<hbm>>) dst(%arg11 : memref<128x128xf32, #tpu.memory_space<vmem>>)
    %dma_start3A_54 = arith.constant 0 : i32
    %dma_start3A_55 = arith.constant 0 : i32
    %dma_start3A_56 = tpu.memref_slice %arg3[%dma_start3A_54, %dma_start3A_55] : memref<100000x128xf32, #tpu.memory_space<hbm>> -> memref<100000x128xf32, #tpu.memory_space<hbm>>
    tpu.enqueue_indirect_dma source(%dma_start3A_56 : memref<100000x128xf32, #tpu.memory_space<hbm>>) target(%arg11 : memref<128x128xf32, #tpu.memory_space<vmem>>) offsets(%arg7 : memref<128xi32, #tpu.memory_space<vmem>>) semaphore(%arg19 : memref<!tpu.dma_semaphore, #tpu.memory_space<semaphore_mem>>) {add = true}
    %dma_wait3A_57 = arith.constant 0 : i32
    %dma_wait3A_58 = arith.constant 0 : i32
    %dma_wait3A_59 = tpu.memref_slice %arg3[%dma_wait3A_57, %dma_wait3A_58] : memref<100000x128xf32, #tpu.memory_space<hbm>> -> memref<100000x128xf32, #tpu.memory_space<hbm>>
    tpu.wait_indirect_dma semaphore(%arg19 : memref<!tpu.dma_semaphore, #tpu.memory_space<semaphore_mem>>) src(%dma_wait3A_59 : memref<100000x128xf32, #tpu.memory_space<hbm>>) dst(%arg11 : memref<128x128xf32, #tpu.memory_space<vmem>>)
    %add3A_60 = arith.constant 128 : i32
    %add3A_61 = arith.addi %mul3A_2, %add3A_60 : i32
    %dma_start3A_62 = arith.constant 0 : i32
    %dma_start3A_63 = tpu.memref_slice %arg5[%add3A_61, %dma_start3A_62] : memref<32768x128xf32, #tpu.memory_space<hbm>> -> memref<128x128xf32, #tpu.memory_space<hbm>>
    %dma_start3A_64 = arith.constant 0 : i32
    %dma_start3A_65 = tpu.memref_slice %arg5[%add3A_61, %dma_start3A_64] : memref<32768x128xf32, #tpu.memory_space<hbm>> -> memref<128x128xf32, #tpu.memory_space<hbm>>
    tpu.enqueue_dma source(%arg11 : memref<128x128xf32, #tpu.memory_space<vmem>>) target(%dma_start3A_65 : memref<128x128xf32, #tpu.memory_space<hbm>>) target_semaphore(%arg23 : memref<!tpu.dma_semaphore, #tpu.memory_space<semaphore_mem>>)
    %dma_wait3A_66 = arith.constant 0 : i32
    %dma_wait3A_67 = tpu.memref_slice %arg4[%add3A_20, %dma_wait3A_66] : memref<8192x128xf32, #tpu.memory_space<hbm>> -> memref<128x128xf32, #tpu.memory_space<hbm>>
    %dma_wait3A_68 = arith.constant 0 : i32
    %dma_wait3A_69 = tpu.memref_slice %arg4[%add3A_20, %dma_wait3A_68] : memref<8192x128xf32, #tpu.memory_space<hbm>> -> memref<128x128xf32, #tpu.memory_space<hbm>>
    tpu.wait_dma2 semaphore(%arg16 : memref<!tpu.dma_semaphore, #tpu.memory_space<semaphore_mem>>) src(%dma_wait3A_69 : memref<128x128xf32, #tpu.memory_space<hbm>>) dst(%arg12 : memref<128x128xf32, #tpu.memory_space<vmem>>)
    %dma_start3A_70 = arith.constant 0 : i32
    %dma_start3A_71 = arith.constant 0 : i32
    %dma_start3A_72 = tpu.memref_slice %arg3[%dma_start3A_70, %dma_start3A_71] : memref<100000x128xf32, #tpu.memory_space<hbm>> -> memref<100000x128xf32, #tpu.memory_space<hbm>>
    tpu.enqueue_indirect_dma source(%dma_start3A_72 : memref<100000x128xf32, #tpu.memory_space<hbm>>) target(%arg12 : memref<128x128xf32, #tpu.memory_space<vmem>>) offsets(%arg8 : memref<128xi32, #tpu.memory_space<vmem>>) semaphore(%arg20 : memref<!tpu.dma_semaphore, #tpu.memory_space<semaphore_mem>>) {add = true}
    %dma_wait3A_73 = arith.constant 0 : i32
    %dma_wait3A_74 = arith.constant 0 : i32
    %dma_wait3A_75 = tpu.memref_slice %arg3[%dma_wait3A_73, %dma_wait3A_74] : memref<100000x128xf32, #tpu.memory_space<hbm>> -> memref<100000x128xf32, #tpu.memory_space<hbm>>
    tpu.wait_indirect_dma semaphore(%arg20 : memref<!tpu.dma_semaphore, #tpu.memory_space<semaphore_mem>>) src(%dma_wait3A_75 : memref<100000x128xf32, #tpu.memory_space<hbm>>) dst(%arg12 : memref<128x128xf32, #tpu.memory_space<vmem>>)
    %add3A_76 = arith.constant 256 : i32
    %add3A_77 = arith.addi %mul3A_2, %add3A_76 : i32
    %dma_start3A_78 = arith.constant 0 : i32
    %dma_start3A_79 = tpu.memref_slice %arg5[%add3A_77, %dma_start3A_78] : memref<32768x128xf32, #tpu.memory_space<hbm>> -> memref<128x128xf32, #tpu.memory_space<hbm>>
    %dma_start3A_80 = arith.constant 0 : i32
    %dma_start3A_81 = tpu.memref_slice %arg5[%add3A_77, %dma_start3A_80] : memref<32768x128xf32, #tpu.memory_space<hbm>> -> memref<128x128xf32, #tpu.memory_space<hbm>>
    tpu.enqueue_dma source(%arg12 : memref<128x128xf32, #tpu.memory_space<vmem>>) target(%dma_start3A_81 : memref<128x128xf32, #tpu.memory_space<hbm>>) target_semaphore(%arg24 : memref<!tpu.dma_semaphore, #tpu.memory_space<semaphore_mem>>)
    %dma_wait3A_82 = arith.constant 0 : i32
    %dma_wait3A_83 = tpu.memref_slice %arg4[%add3A_28, %dma_wait3A_82] : memref<8192x128xf32, #tpu.memory_space<hbm>> -> memref<128x128xf32, #tpu.memory_space<hbm>>
    %dma_wait3A_84 = arith.constant 0 : i32
    %dma_wait3A_85 = tpu.memref_slice %arg4[%add3A_28, %dma_wait3A_84] : memref<8192x128xf32, #tpu.memory_space<hbm>> -> memref<128x128xf32, #tpu.memory_space<hbm>>
    tpu.wait_dma2 semaphore(%arg17 : memref<!tpu.dma_semaphore, #tpu.memory_space<semaphore_mem>>) src(%dma_wait3A_85 : memref<128x128xf32, #tpu.memory_space<hbm>>) dst(%arg13 : memref<128x128xf32, #tpu.memory_space<vmem>>)
    %dma_start3A_86 = arith.constant 0 : i32
    %dma_start3A_87 = arith.constant 0 : i32
    %dma_start3A_88 = tpu.memref_slice %arg3[%dma_start3A_86, %dma_start3A_87] : memref<100000x128xf32, #tpu.memory_space<hbm>> -> memref<100000x128xf32, #tpu.memory_space<hbm>>
    tpu.enqueue_indirect_dma source(%dma_start3A_88 : memref<100000x128xf32, #tpu.memory_space<hbm>>) target(%arg13 : memref<128x128xf32, #tpu.memory_space<vmem>>) offsets(%arg9 : memref<128xi32, #tpu.memory_space<vmem>>) semaphore(%arg21 : memref<!tpu.dma_semaphore, #tpu.memory_space<semaphore_mem>>) {add = true}
    %dma_wait3A_89 = arith.constant 0 : i32
    %dma_wait3A_90 = arith.constant 0 : i32
    %dma_wait3A_91 = tpu.memref_slice %arg3[%dma_wait3A_89, %dma_wait3A_90] : memref<100000x128xf32, #tpu.memory_space<hbm>> -> memref<100000x128xf32, #tpu.memory_space<hbm>>
    tpu.wait_indirect_dma semaphore(%arg21 : memref<!tpu.dma_semaphore, #tpu.memory_space<semaphore_mem>>) src(%dma_wait3A_91 : memref<100000x128xf32, #tpu.memory_space<hbm>>) dst(%arg13 : memref<128x128xf32, #tpu.memory_space<vmem>>)
    %add3A_92 = arith.constant 384 : i32
    %add3A_93 = arith.addi %mul3A_2, %add3A_92 : i32
    %dma_start3A_94 = arith.constant 0 : i32
    %dma_start3A_95 = tpu.memref_slice %arg5[%add3A_93, %dma_start3A_94] : memref<32768x128xf32, #tpu.memory_space<hbm>> -> memref<128x128xf32, #tpu.memory_space<hbm>>
    %dma_start3A_96 = arith.constant 0 : i32
    %dma_start3A_97 = tpu.memref_slice %arg5[%add3A_93, %dma_start3A_96] : memref<32768x128xf32, #tpu.memory_space<hbm>> -> memref<128x128xf32, #tpu.memory_space<hbm>>
    tpu.enqueue_dma source(%arg13 : memref<128x128xf32, #tpu.memory_space<vmem>>) target(%dma_start3A_97 : memref<128x128xf32, #tpu.memory_space<hbm>>) target_semaphore(%arg25 : memref<!tpu.dma_semaphore, #tpu.memory_space<semaphore_mem>>)
    %dma_wait3A_98 = arith.constant 0 : i32
    %dma_wait3A_99 = tpu.memref_slice %arg5[%add3A_45, %dma_wait3A_98] : memref<32768x128xf32, #tpu.memory_space<hbm>> -> memref<128x128xf32, #tpu.memory_space<hbm>>
    %dma_wait3A_100 = arith.constant 0 : i32
    %dma_wait3A_101 = tpu.memref_slice %arg5[%add3A_45, %dma_wait3A_100] : memref<32768x128xf32, #tpu.memory_space<hbm>> -> memref<128x128xf32, #tpu.memory_space<hbm>>
    tpu.wait_dma2 semaphore(%arg22 : memref<!tpu.dma_semaphore, #tpu.memory_space<semaphore_mem>>) src(%arg10 : memref<128x128xf32, #tpu.memory_space<vmem>>) dst(%dma_wait3A_101 : memref<128x128xf32, #tpu.memory_space<hbm>>)
    %add3A_102 = arith.constant 512 : i32
    %add3A_103 = arith.addi %rem3A_3, %add3A_102 : i32
    %dma_start3A_104 = arith.constant 0 : i32
    %dma_start3A_105 = tpu.memref_slice %arg4[%add3A_103, %dma_start3A_104] : memref<8192x128xf32, #tpu.memory_space<hbm>> -> memref<128x128xf32, #tpu.memory_space<hbm>>
    %dma_start3A_106 = arith.constant 0 : i32
    %dma_start3A_107 = tpu.memref_slice %arg4[%add3A_103, %dma_start3A_106] : memref<8192x128xf32, #tpu.memory_space<hbm>> -> memref<128x128xf32, #tpu.memory_space<hbm>>
    tpu.enqueue_dma source(%dma_start3A_107 : memref<128x128xf32, #tpu.memory_space<hbm>>) target(%arg10 : memref<128x128xf32, #tpu.memory_space<vmem>>) target_semaphore(%arg14 : memref<!tpu.dma_semaphore, #tpu.memory_space<semaphore_mem>>)
    %add3A_108 = arith.constant 512 : i32
    %add3A_109 = arith.addi %mul3A_2, %add3A_108 : i32
    "tpu.region"() ({
      %run_scoped3A = tpu.sem_alloc : memref<!tpu.dma_semaphore, #tpu.memory_space<semaphore_mem>>
      %dma_start3A_226 = tpu.memref_slice %arg2[%add3A_109] : memref<32768xi32, #tpu.memory_space<hbm>> -> memref<128xi32, #tpu.memory_space<hbm>>
      %dma_start3A_227 = tpu.memref_slice %arg2[%add3A_109] : memref<32768xi32, #tpu.memory_space<hbm>> -> memref<128xi32, #tpu.memory_space<hbm>>
      tpu.enqueue_dma source(%dma_start3A_227 : memref<128xi32, #tpu.memory_space<hbm>>) target(%arg6 : memref<128xi32, #tpu.memory_space<vmem>>) target_semaphore(%run_scoped3A : memref<!tpu.dma_semaphore, #tpu.memory_space<semaphore_mem>>)
      %dma_wait3A_228 = tpu.memref_slice %arg2[%add3A_109] : memref<32768xi32, #tpu.memory_space<hbm>> -> memref<128xi32, #tpu.memory_space<hbm>>
      %dma_wait3A_229 = tpu.memref_slice %arg2[%add3A_109] : memref<32768xi32, #tpu.memory_space<hbm>> -> memref<128xi32, #tpu.memory_space<hbm>>
      tpu.wait_dma2 semaphore(%run_scoped3A : memref<!tpu.dma_semaphore, #tpu.memory_space<semaphore_mem>>) src(%dma_wait3A_229 : memref<128xi32, #tpu.memory_space<hbm>>) dst(%arg6 : memref<128xi32, #tpu.memory_space<vmem>>)
      tpu.yield
    }) : () -> ()
    %dma_wait3A_110 = arith.constant 0 : i32
    %dma_wait3A_111 = tpu.memref_slice %arg4[%add3A_103, %dma_wait3A_110] : memref<8192x128xf32, #tpu.memory_space<hbm>> -> memref<128x128xf32, #tpu.memory_space<hbm>>
    %dma_wait3A_112 = arith.constant 0 : i32
    %dma_wait3A_113 = tpu.memref_slice %arg4[%add3A_103, %dma_wait3A_112] : memref<8192x128xf32, #tpu.memory_space<hbm>> -> memref<128x128xf32, #tpu.memory_space<hbm>>
    tpu.wait_dma2 semaphore(%arg14 : memref<!tpu.dma_semaphore, #tpu.memory_space<semaphore_mem>>) src(%dma_wait3A_113 : memref<128x128xf32, #tpu.memory_space<hbm>>) dst(%arg10 : memref<128x128xf32, #tpu.memory_space<vmem>>)
    %dma_start3A_114 = arith.constant 0 : i32
    %dma_start3A_115 = arith.constant 0 : i32
    %dma_start3A_116 = tpu.memref_slice %arg3[%dma_start3A_114, %dma_start3A_115] : memref<100000x128xf32, #tpu.memory_space<hbm>> -> memref<100000x128xf32, #tpu.memory_space<hbm>>
    tpu.enqueue_indirect_dma source(%dma_start3A_116 : memref<100000x128xf32, #tpu.memory_space<hbm>>) target(%arg10 : memref<128x128xf32, #tpu.memory_space<vmem>>) offsets(%arg6 : memref<128xi32, #tpu.memory_space<vmem>>) semaphore(%arg18 : memref<!tpu.dma_semaphore, #tpu.memory_space<semaphore_mem>>) {add = true}
    %dma_wait3A_117 = arith.constant 0 : i32
    %dma_wait3A_118 = arith.constant 0 : i32
    %dma_wait3A_119 = tpu.memref_slice %arg3[%dma_wait3A_117, %dma_wait3A_118] : memref<100000x128xf32, #tpu.memory_space<hbm>> -> memref<100000x128xf32, #tpu.memory_space<hbm>>
    tpu.wait_indirect_dma semaphore(%arg18 : memref<!tpu.dma_semaphore, #tpu.memory_space<semaphore_mem>>) src(%dma_wait3A_119 : memref<100000x128xf32, #tpu.memory_space<hbm>>) dst(%arg10 : memref<128x128xf32, #tpu.memory_space<vmem>>)
    %add3A_120 = arith.constant 512 : i32
    %add3A_121 = arith.addi %mul3A_2, %add3A_120 : i32
    %dma_start3A_122 = arith.constant 0 : i32
    %dma_start3A_123 = tpu.memref_slice %arg5[%add3A_121, %dma_start3A_122] : memref<32768x128xf32, #tpu.memory_space<hbm>> -> memref<128x128xf32, #tpu.memory_space<hbm>>
    %dma_start3A_124 = arith.constant 0 : i32
    %dma_start3A_125 = tpu.memref_slice %arg5[%add3A_121, %dma_start3A_124] : memref<32768x128xf32, #tpu.memory_space<hbm>> -> memref<128x128xf32, #tpu.memory_space<hbm>>
    tpu.enqueue_dma source(%arg10 : memref<128x128xf32, #tpu.memory_space<vmem>>) target(%dma_start3A_125 : memref<128x128xf32, #tpu.memory_space<hbm>>) target_semaphore(%arg22 : memref<!tpu.dma_semaphore, #tpu.memory_space<semaphore_mem>>)
    %dma_wait3A_126 = arith.constant 0 : i32
    %dma_wait3A_127 = tpu.memref_slice %arg5[%add3A_61, %dma_wait3A_126] : memref<32768x128xf32, #tpu.memory_space<hbm>> -> memref<128x128xf32, #tpu.memory_space<hbm>>
    %dma_wait3A_128 = arith.constant 0 : i32
    %dma_wait3A_129 = tpu.memref_slice %arg5[%add3A_61, %dma_wait3A_128] : memref<32768x128xf32, #tpu.memory_space<hbm>> -> memref<128x128xf32, #tpu.memory_space<hbm>>
    tpu.wait_dma2 semaphore(%arg23 : memref<!tpu.dma_semaphore, #tpu.memory_space<semaphore_mem>>) src(%arg11 : memref<128x128xf32, #tpu.memory_space<vmem>>) dst(%dma_wait3A_129 : memref<128x128xf32, #tpu.memory_space<hbm>>)
    %add3A_130 = arith.constant 640 : i32
    %add3A_131 = arith.addi %rem3A_3, %add3A_130 : i32
    %dma_start3A_132 = arith.constant 0 : i32
    %dma_start3A_133 = tpu.memref_slice %arg4[%add3A_131, %dma_start3A_132] : memref<8192x128xf32, #tpu.memory_space<hbm>> -> memref<128x128xf32, #tpu.memory_space<hbm>>
    %dma_start3A_134 = arith.constant 0 : i32
    %dma_start3A_135 = tpu.memref_slice %arg4[%add3A_131, %dma_start3A_134] : memref<8192x128xf32, #tpu.memory_space<hbm>> -> memref<128x128xf32, #tpu.memory_space<hbm>>
    tpu.enqueue_dma source(%dma_start3A_135 : memref<128x128xf32, #tpu.memory_space<hbm>>) target(%arg11 : memref<128x128xf32, #tpu.memory_space<vmem>>) target_semaphore(%arg15 : memref<!tpu.dma_semaphore, #tpu.memory_space<semaphore_mem>>)
    %add3A_136 = arith.constant 640 : i32
    %add3A_137 = arith.addi %mul3A_2, %add3A_136 : i32
    "tpu.region"() ({
      %run_scoped3A = tpu.sem_alloc : memref<!tpu.dma_semaphore, #tpu.memory_space<semaphore_mem>>
      %dma_start3A_226 = tpu.memref_slice %arg2[%add3A_137] : memref<32768xi32, #tpu.memory_space<hbm>> -> memref<128xi32, #tpu.memory_space<hbm>>
      %dma_start3A_227 = tpu.memref_slice %arg2[%add3A_137] : memref<32768xi32, #tpu.memory_space<hbm>> -> memref<128xi32, #tpu.memory_space<hbm>>
      tpu.enqueue_dma source(%dma_start3A_227 : memref<128xi32, #tpu.memory_space<hbm>>) target(%arg7 : memref<128xi32, #tpu.memory_space<vmem>>) target_semaphore(%run_scoped3A : memref<!tpu.dma_semaphore, #tpu.memory_space<semaphore_mem>>)
      %dma_wait3A_228 = tpu.memref_slice %arg2[%add3A_137] : memref<32768xi32, #tpu.memory_space<hbm>> -> memref<128xi32, #tpu.memory_space<hbm>>
      %dma_wait3A_229 = tpu.memref_slice %arg2[%add3A_137] : memref<32768xi32, #tpu.memory_space<hbm>> -> memref<128xi32, #tpu.memory_space<hbm>>
      tpu.wait_dma2 semaphore(%run_scoped3A : memref<!tpu.dma_semaphore, #tpu.memory_space<semaphore_mem>>) src(%dma_wait3A_229 : memref<128xi32, #tpu.memory_space<hbm>>) dst(%arg7 : memref<128xi32, #tpu.memory_space<vmem>>)
      tpu.yield
    }) : () -> ()
    %dma_wait3A_138 = arith.constant 0 : i32
    %dma_wait3A_139 = tpu.memref_slice %arg4[%add3A_131, %dma_wait3A_138] : memref<8192x128xf32, #tpu.memory_space<hbm>> -> memref<128x128xf32, #tpu.memory_space<hbm>>
    %dma_wait3A_140 = arith.constant 0 : i32
    %dma_wait3A_141 = tpu.memref_slice %arg4[%add3A_131, %dma_wait3A_140] : memref<8192x128xf32, #tpu.memory_space<hbm>> -> memref<128x128xf32, #tpu.memory_space<hbm>>
    tpu.wait_dma2 semaphore(%arg15 : memref<!tpu.dma_semaphore, #tpu.memory_space<semaphore_mem>>) src(%dma_wait3A_141 : memref<128x128xf32, #tpu.memory_space<hbm>>) dst(%arg11 : memref<128x128xf32, #tpu.memory_space<vmem>>)
    %dma_start3A_142 = arith.constant 0 : i32
    %dma_start3A_143 = arith.constant 0 : i32
    %dma_start3A_144 = tpu.memref_slice %arg3[%dma_start3A_142, %dma_start3A_143] : memref<100000x128xf32, #tpu.memory_space<hbm>> -> memref<100000x128xf32, #tpu.memory_space<hbm>>
    tpu.enqueue_indirect_dma source(%dma_start3A_144 : memref<100000x128xf32, #tpu.memory_space<hbm>>) target(%arg11 : memref<128x128xf32, #tpu.memory_space<vmem>>) offsets(%arg7 : memref<128xi32, #tpu.memory_space<vmem>>) semaphore(%arg19 : memref<!tpu.dma_semaphore, #tpu.memory_space<semaphore_mem>>) {add = true}
    %dma_wait3A_145 = arith.constant 0 : i32
    %dma_wait3A_146 = arith.constant 0 : i32
    %dma_wait3A_147 = tpu.memref_slice %arg3[%dma_wait3A_145, %dma_wait3A_146] : memref<100000x128xf32, #tpu.memory_space<hbm>> -> memref<100000x128xf32, #tpu.memory_space<hbm>>
    tpu.wait_indirect_dma semaphore(%arg19 : memref<!tpu.dma_semaphore, #tpu.memory_space<semaphore_mem>>) src(%dma_wait3A_147 : memref<100000x128xf32, #tpu.memory_space<hbm>>) dst(%arg11 : memref<128x128xf32, #tpu.memory_space<vmem>>)
    %add3A_148 = arith.constant 640 : i32
    %add3A_149 = arith.addi %mul3A_2, %add3A_148 : i32
    %dma_start3A_150 = arith.constant 0 : i32
    %dma_start3A_151 = tpu.memref_slice %arg5[%add3A_149, %dma_start3A_150] : memref<32768x128xf32, #tpu.memory_space<hbm>> -> memref<128x128xf32, #tpu.memory_space<hbm>>
    %dma_start3A_152 = arith.constant 0 : i32
    %dma_start3A_153 = tpu.memref_slice %arg5[%add3A_149, %dma_start3A_152] : memref<32768x128xf32, #tpu.memory_space<hbm>> -> memref<128x128xf32, #tpu.memory_space<hbm>>
    tpu.enqueue_dma source(%arg11 : memref<128x128xf32, #tpu.memory_space<vmem>>) target(%dma_start3A_153 : memref<128x128xf32, #tpu.memory_space<hbm>>) target_semaphore(%arg23 : memref<!tpu.dma_semaphore, #tpu.memory_space<semaphore_mem>>)
    %dma_wait3A_154 = arith.constant 0 : i32
    %dma_wait3A_155 = tpu.memref_slice %arg5[%add3A_77, %dma_wait3A_154] : memref<32768x128xf32, #tpu.memory_space<hbm>> -> memref<128x128xf32, #tpu.memory_space<hbm>>
    %dma_wait3A_156 = arith.constant 0 : i32
    %dma_wait3A_157 = tpu.memref_slice %arg5[%add3A_77, %dma_wait3A_156] : memref<32768x128xf32, #tpu.memory_space<hbm>> -> memref<128x128xf32, #tpu.memory_space<hbm>>
    tpu.wait_dma2 semaphore(%arg24 : memref<!tpu.dma_semaphore, #tpu.memory_space<semaphore_mem>>) src(%arg12 : memref<128x128xf32, #tpu.memory_space<vmem>>) dst(%dma_wait3A_157 : memref<128x128xf32, #tpu.memory_space<hbm>>)
    %add3A_158 = arith.constant 768 : i32
    %add3A_159 = arith.addi %rem3A_3, %add3A_158 : i32
    %dma_start3A_160 = arith.constant 0 : i32
    %dma_start3A_161 = tpu.memref_slice %arg4[%add3A_159, %dma_start3A_160] : memref<8192x128xf32, #tpu.memory_space<hbm>> -> memref<128x128xf32, #tpu.memory_space<hbm>>
    %dma_start3A_162 = arith.constant 0 : i32
    %dma_start3A_163 = tpu.memref_slice %arg4[%add3A_159, %dma_start3A_162] : memref<8192x128xf32, #tpu.memory_space<hbm>> -> memref<128x128xf32, #tpu.memory_space<hbm>>
    tpu.enqueue_dma source(%dma_start3A_163 : memref<128x128xf32, #tpu.memory_space<hbm>>) target(%arg12 : memref<128x128xf32, #tpu.memory_space<vmem>>) target_semaphore(%arg16 : memref<!tpu.dma_semaphore, #tpu.memory_space<semaphore_mem>>)
    %add3A_164 = arith.constant 768 : i32
    %add3A_165 = arith.addi %mul3A_2, %add3A_164 : i32
    "tpu.region"() ({
      %run_scoped3A = tpu.sem_alloc : memref<!tpu.dma_semaphore, #tpu.memory_space<semaphore_mem>>
      %dma_start3A_226 = tpu.memref_slice %arg2[%add3A_165] : memref<32768xi32, #tpu.memory_space<hbm>> -> memref<128xi32, #tpu.memory_space<hbm>>
      %dma_start3A_227 = tpu.memref_slice %arg2[%add3A_165] : memref<32768xi32, #tpu.memory_space<hbm>> -> memref<128xi32, #tpu.memory_space<hbm>>
      tpu.enqueue_dma source(%dma_start3A_227 : memref<128xi32, #tpu.memory_space<hbm>>) target(%arg8 : memref<128xi32, #tpu.memory_space<vmem>>) target_semaphore(%run_scoped3A : memref<!tpu.dma_semaphore, #tpu.memory_space<semaphore_mem>>)
      %dma_wait3A_228 = tpu.memref_slice %arg2[%add3A_165] : memref<32768xi32, #tpu.memory_space<hbm>> -> memref<128xi32, #tpu.memory_space<hbm>>
      %dma_wait3A_229 = tpu.memref_slice %arg2[%add3A_165] : memref<32768xi32, #tpu.memory_space<hbm>> -> memref<128xi32, #tpu.memory_space<hbm>>
      tpu.wait_dma2 semaphore(%run_scoped3A : memref<!tpu.dma_semaphore, #tpu.memory_space<semaphore_mem>>) src(%dma_wait3A_229 : memref<128xi32, #tpu.memory_space<hbm>>) dst(%arg8 : memref<128xi32, #tpu.memory_space<vmem>>)
      tpu.yield
    }) : () -> ()
    %dma_wait3A_166 = arith.constant 0 : i32
    %dma_wait3A_167 = tpu.memref_slice %arg4[%add3A_159, %dma_wait3A_166] : memref<8192x128xf32, #tpu.memory_space<hbm>> -> memref<128x128xf32, #tpu.memory_space<hbm>>
    %dma_wait3A_168 = arith.constant 0 : i32
    %dma_wait3A_169 = tpu.memref_slice %arg4[%add3A_159, %dma_wait3A_168] : memref<8192x128xf32, #tpu.memory_space<hbm>> -> memref<128x128xf32, #tpu.memory_space<hbm>>
    tpu.wait_dma2 semaphore(%arg16 : memref<!tpu.dma_semaphore, #tpu.memory_space<semaphore_mem>>) src(%dma_wait3A_169 : memref<128x128xf32, #tpu.memory_space<hbm>>) dst(%arg12 : memref<128x128xf32, #tpu.memory_space<vmem>>)
    %dma_start3A_170 = arith.constant 0 : i32
    %dma_start3A_171 = arith.constant 0 : i32
    %dma_start3A_172 = tpu.memref_slice %arg3[%dma_start3A_170, %dma_start3A_171] : memref<100000x128xf32, #tpu.memory_space<hbm>> -> memref<100000x128xf32, #tpu.memory_space<hbm>>
    tpu.enqueue_indirect_dma source(%dma_start3A_172 : memref<100000x128xf32, #tpu.memory_space<hbm>>) target(%arg12 : memref<128x128xf32, #tpu.memory_space<vmem>>) offsets(%arg8 : memref<128xi32, #tpu.memory_space<vmem>>) semaphore(%arg20 : memref<!tpu.dma_semaphore, #tpu.memory_space<semaphore_mem>>) {add = true}
    %dma_wait3A_173 = arith.constant 0 : i32
    %dma_wait3A_174 = arith.constant 0 : i32
    %dma_wait3A_175 = tpu.memref_slice %arg3[%dma_wait3A_173, %dma_wait3A_174] : memref<100000x128xf32, #tpu.memory_space<hbm>> -> memref<100000x128xf32, #tpu.memory_space<hbm>>
    tpu.wait_indirect_dma semaphore(%arg20 : memref<!tpu.dma_semaphore, #tpu.memory_space<semaphore_mem>>) src(%dma_wait3A_175 : memref<100000x128xf32, #tpu.memory_space<hbm>>) dst(%arg12 : memref<128x128xf32, #tpu.memory_space<vmem>>)
    %add3A_176 = arith.constant 768 : i32
    %add3A_177 = arith.addi %mul3A_2, %add3A_176 : i32
    %dma_start3A_178 = arith.constant 0 : i32
    %dma_start3A_179 = tpu.memref_slice %arg5[%add3A_177, %dma_start3A_178] : memref<32768x128xf32, #tpu.memory_space<hbm>> -> memref<128x128xf32, #tpu.memory_space<hbm>>
    %dma_start3A_180 = arith.constant 0 : i32
    %dma_start3A_181 = tpu.memref_slice %arg5[%add3A_177, %dma_start3A_180] : memref<32768x128xf32, #tpu.memory_space<hbm>> -> memref<128x128xf32, #tpu.memory_space<hbm>>
    tpu.enqueue_dma source(%arg12 : memref<128x128xf32, #tpu.memory_space<vmem>>) target(%dma_start3A_181 : memref<128x128xf32, #tpu.memory_space<hbm>>) target_semaphore(%arg24 : memref<!tpu.dma_semaphore, #tpu.memory_space<semaphore_mem>>)
    %dma_wait3A_182 = arith.constant 0 : i32
    %dma_wait3A_183 = tpu.memref_slice %arg5[%add3A_93, %dma_wait3A_182] : memref<32768x128xf32, #tpu.memory_space<hbm>> -> memref<128x128xf32, #tpu.memory_space<hbm>>
    %dma_wait3A_184 = arith.constant 0 : i32
    %dma_wait3A_185 = tpu.memref_slice %arg5[%add3A_93, %dma_wait3A_184] : memref<32768x128xf32, #tpu.memory_space<hbm>> -> memref<128x128xf32, #tpu.memory_space<hbm>>
    tpu.wait_dma2 semaphore(%arg25 : memref<!tpu.dma_semaphore, #tpu.memory_space<semaphore_mem>>) src(%arg13 : memref<128x128xf32, #tpu.memory_space<vmem>>) dst(%dma_wait3A_185 : memref<128x128xf32, #tpu.memory_space<hbm>>)
    %add3A_186 = arith.constant 896 : i32
    %add3A_187 = arith.addi %rem3A_3, %add3A_186 : i32
    %dma_start3A_188 = arith.constant 0 : i32
    %dma_start3A_189 = tpu.memref_slice %arg4[%add3A_187, %dma_start3A_188] : memref<8192x128xf32, #tpu.memory_space<hbm>> -> memref<128x128xf32, #tpu.memory_space<hbm>>
    %dma_start3A_190 = arith.constant 0 : i32
    %dma_start3A_191 = tpu.memref_slice %arg4[%add3A_187, %dma_start3A_190] : memref<8192x128xf32, #tpu.memory_space<hbm>> -> memref<128x128xf32, #tpu.memory_space<hbm>>
    tpu.enqueue_dma source(%dma_start3A_191 : memref<128x128xf32, #tpu.memory_space<hbm>>) target(%arg13 : memref<128x128xf32, #tpu.memory_space<vmem>>) target_semaphore(%arg17 : memref<!tpu.dma_semaphore, #tpu.memory_space<semaphore_mem>>)
    %add3A_192 = arith.constant 896 : i32
    %add3A_193 = arith.addi %mul3A_2, %add3A_192 : i32
    "tpu.region"() ({
      %run_scoped3A = tpu.sem_alloc : memref<!tpu.dma_semaphore, #tpu.memory_space<semaphore_mem>>
      %dma_start3A_226 = tpu.memref_slice %arg2[%add3A_193] : memref<32768xi32, #tpu.memory_space<hbm>> -> memref<128xi32, #tpu.memory_space<hbm>>
      %dma_start3A_227 = tpu.memref_slice %arg2[%add3A_193] : memref<32768xi32, #tpu.memory_space<hbm>> -> memref<128xi32, #tpu.memory_space<hbm>>
      tpu.enqueue_dma source(%dma_start3A_227 : memref<128xi32, #tpu.memory_space<hbm>>) target(%arg9 : memref<128xi32, #tpu.memory_space<vmem>>) target_semaphore(%run_scoped3A : memref<!tpu.dma_semaphore, #tpu.memory_space<semaphore_mem>>)
      %dma_wait3A_228 = tpu.memref_slice %arg2[%add3A_193] : memref<32768xi32, #tpu.memory_space<hbm>> -> memref<128xi32, #tpu.memory_space<hbm>>
      %dma_wait3A_229 = tpu.memref_slice %arg2[%add3A_193] : memref<32768xi32, #tpu.memory_space<hbm>> -> memref<128xi32, #tpu.memory_space<hbm>>
      tpu.wait_dma2 semaphore(%run_scoped3A : memref<!tpu.dma_semaphore, #tpu.memory_space<semaphore_mem>>) src(%dma_wait3A_229 : memref<128xi32, #tpu.memory_space<hbm>>) dst(%arg9 : memref<128xi32, #tpu.memory_space<vmem>>)
      tpu.yield
    }) : () -> ()
    %dma_wait3A_194 = arith.constant 0 : i32
    %dma_wait3A_195 = tpu.memref_slice %arg4[%add3A_187, %dma_wait3A_194] : memref<8192x128xf32, #tpu.memory_space<hbm>> -> memref<128x128xf32, #tpu.memory_space<hbm>>
    %dma_wait3A_196 = arith.constant 0 : i32
    %dma_wait3A_197 = tpu.memref_slice %arg4[%add3A_187, %dma_wait3A_196] : memref<8192x128xf32, #tpu.memory_space<hbm>> -> memref<128x128xf32, #tpu.memory_space<hbm>>
    tpu.wait_dma2 semaphore(%arg17 : memref<!tpu.dma_semaphore, #tpu.memory_space<semaphore_mem>>) src(%dma_wait3A_197 : memref<128x128xf32, #tpu.memory_space<hbm>>) dst(%arg13 : memref<128x128xf32, #tpu.memory_space<vmem>>)
    %dma_start3A_198 = arith.constant 0 : i32
    %dma_start3A_199 = arith.constant 0 : i32
    %dma_start3A_200 = tpu.memref_slice %arg3[%dma_start3A_198, %dma_start3A_199] : memref<100000x128xf32, #tpu.memory_space<hbm>> -> memref<100000x128xf32, #tpu.memory_space<hbm>>
    tpu.enqueue_indirect_dma source(%dma_start3A_200 : memref<100000x128xf32, #tpu.memory_space<hbm>>) target(%arg13 : memref<128x128xf32, #tpu.memory_space<vmem>>) offsets(%arg9 : memref<128xi32, #tpu.memory_space<vmem>>) semaphore(%arg21 : memref<!tpu.dma_semaphore, #tpu.memory_space<semaphore_mem>>) {add = true}
    %dma_wait3A_201 = arith.constant 0 : i32
    %dma_wait3A_202 = arith.constant 0 : i32
    %dma_wait3A_203 = tpu.memref_slice %arg3[%dma_wait3A_201, %dma_wait3A_202] : memref<100000x128xf32, #tpu.memory_space<hbm>> -> memref<100000x128xf32, #tpu.memory_space<hbm>>
    tpu.wait_indirect_dma semaphore(%arg21 : memref<!tpu.dma_semaphore, #tpu.memory_space<semaphore_mem>>) src(%dma_wait3A_203 : memref<100000x128xf32, #tpu.memory_space<hbm>>) dst(%arg13 : memref<128x128xf32, #tpu.memory_space<vmem>>)
    %add3A_204 = arith.constant 896 : i32
    %add3A_205 = arith.addi %mul3A_2, %add3A_204 : i32
    %dma_start3A_206 = arith.constant 0 : i32
    %dma_start3A_207 = tpu.memref_slice %arg5[%add3A_205, %dma_start3A_206] : memref<32768x128xf32, #tpu.memory_space<hbm>> -> memref<128x128xf32, #tpu.memory_space<hbm>>
    %dma_start3A_208 = arith.constant 0 : i32
    %dma_start3A_209 = tpu.memref_slice %arg5[%add3A_205, %dma_start3A_208] : memref<32768x128xf32, #tpu.memory_space<hbm>> -> memref<128x128xf32, #tpu.memory_space<hbm>>
    tpu.enqueue_dma source(%arg13 : memref<128x128xf32, #tpu.memory_space<vmem>>) target(%dma_start3A_209 : memref<128x128xf32, #tpu.memory_space<hbm>>) target_semaphore(%arg25 : memref<!tpu.dma_semaphore, #tpu.memory_space<semaphore_mem>>)
    %dma_wait3A_210 = arith.constant 0 : i32
    %dma_wait3A_211 = tpu.memref_slice %arg5[%add3A_121, %dma_wait3A_210] : memref<32768x128xf32, #tpu.memory_space<hbm>> -> memref<128x128xf32, #tpu.memory_space<hbm>>
    %dma_wait3A_212 = arith.constant 0 : i32
    %dma_wait3A_213 = tpu.memref_slice %arg5[%add3A_121, %dma_wait3A_212] : memref<32768x128xf32, #tpu.memory_space<hbm>> -> memref<128x128xf32, #tpu.memory_space<hbm>>
    tpu.wait_dma2 semaphore(%arg22 : memref<!tpu.dma_semaphore, #tpu.memory_space<semaphore_mem>>) src(%arg10 : memref<128x128xf32, #tpu.memory_space<vmem>>) dst(%dma_wait3A_213 : memref<128x128xf32, #tpu.memory_space<hbm>>)
    %dma_wait3A_214 = arith.constant 0 : i32
    %dma_wait3A_215 = tpu.memref_slice %arg5[%add3A_149, %dma_wait3A_214] : memref<32768x128xf32, #tpu.memory_space<hbm>> -> memref<128x128xf32, #tpu.memory_space<hbm>>
    %dma_wait3A_216 = arith.constant 0 : i32
    %dma_wait3A_217 = tpu.memref_slice %arg5[%add3A_149, %dma_wait3A_216] : memref<32768x128xf32, #tpu.memory_space<hbm>> -> memref<128x128xf32, #tpu.memory_space<hbm>>
    tpu.wait_dma2 semaphore(%arg23 : memref<!tpu.dma_semaphore, #tpu.memory_space<semaphore_mem>>) src(%arg11 : memref<128x128xf32, #tpu.memory_space<vmem>>) dst(%dma_wait3A_217 : memref<128x128xf32, #tpu.memory_space<hbm>>)
    %dma_wait3A_218 = arith.constant 0 : i32
    %dma_wait3A_219 = tpu.memref_slice %arg5[%add3A_177, %dma_wait3A_218] : memref<32768x128xf32, #tpu.memory_space<hbm>> -> memref<128x128xf32, #tpu.memory_space<hbm>>
    %dma_wait3A_220 = arith.constant 0 : i32
    %dma_wait3A_221 = tpu.memref_slice %arg5[%add3A_177, %dma_wait3A_220] : memref<32768x128xf32, #tpu.memory_space<hbm>> -> memref<128x128xf32, #tpu.memory_space<hbm>>
    tpu.wait_dma2 semaphore(%arg24 : memref<!tpu.dma_semaphore, #tpu.memory_space<semaphore_mem>>) src(%arg12 : memref<128x128xf32, #tpu.memory_space<vmem>>) dst(%dma_wait3A_221 : memref<128x128xf32, #tpu.memory_space<hbm>>)
    %dma_wait3A_222 = arith.constant 0 : i32
    %dma_wait3A_223 = tpu.memref_slice %arg5[%add3A_205, %dma_wait3A_222] : memref<32768x128xf32, #tpu.memory_space<hbm>> -> memref<128x128xf32, #tpu.memory_space<hbm>>
    %dma_wait3A_224 = arith.constant 0 : i32
    %dma_wait3A_225 = tpu.memref_slice %arg5[%add3A_205, %dma_wait3A_224] : memref<32768x128xf32, #tpu.memory_space<hbm>> -> memref<128x128xf32, #tpu.memory_space<hbm>>
    tpu.wait_dma2 semaphore(%arg25 : memref<!tpu.dma_semaphore, #tpu.memory_space<semaphore_mem>>) src(%arg13 : memref<128x128xf32, #tpu.memory_space<vmem>>) dst(%dma_wait3A_225 : memref<128x128xf32, #tpu.memory_space<hbm>>)
    return
  }
}

</mosaic_0001>

<sc_bundles>
// kernel: kernel.3.cloned.1.call-start
scs
__scs_entry_jumppad:
0x0: {  	(pc) =	sbr.rel $0x88, $3  }
0x1: {  	(tag) =	ssettag $0x0;
	lr =	simm.s32 $0x1  }
0x2: {  	[smem:$0x3F9E] =	sst lr;
	_ =	strace $0xD0000000  }
0x3: {  	_ = 	snop  }
0x4: {  	_ = 	snop  }
0x5: {  	_ = 	snop  }
0x6: {  	_ = 	snop  }
0x7: {  	_ = 	snop  }
__scs_overlays_trampoline_lowered:
0x8: {  	[smem:$0x3FAD] =	sst s0  }
0x9: {  	[smem:$0x3FAE] =	sst s1  }
0xa: {  	[smem:$0x3FAF] =	sst s2  }
0xb: {  	[smem:$0x3FB0] =	sst s3  }
0xc: {  	[smem:$0x3FB1] =	sst s4  }
0xd: {  	[smem:$0x3FB2] =	sst s5  }
0xe: {  	[smem:$0x3FB3] =	sst s6  }
0xf: {  	[smem:$0x3FB4] =	sst s7  }
0x10: {  	[smem:$0x3FB5] =	sst s8  }
0x11: {  	[smem:$0x3FB6] =	sst s9;
	s0 =	simm.s32 @!p0 $0x0  }
0x12: {  	s1 =	sld [smem:$0x3F9C];
	s0 =	simm.s32 @p0 $0x1  }
0x13: {  	[smem:$0x3FB7] =	sst s0;
	s0 =	simm.s32 @!p1 $0x0  }
0x14: {  	s2 =	sld [smem:$0x3F9B];
	s0 =	simm.s32 @p1 $0x1  }
0x15: {  	[smem:$0x3FB8] =	sst s0;
	s0 =	simm.s32 @!p2 $0x0  }
0x16: {  	s3 =	sld [smem:$0x3FDB];
	s0 =	simm.s32 @p2 $0x1  }
0x17: {  	s4 =	simm.s32 $0x1BF5;
	[smem:$0x3FBA] =	sst s0  }
0x18: {  	s0 =	sld [smem:$0x3F9D];
	_ =	swait.ge [sflag:s4], $0x0  }
0x19: {  	s7 =	sld [smem:$0x3F9E]  }
0x1a: {  	s8 =	sadd.s32 $0xFFFFE003, lr  }
0x1b: {  	s9 =	sadd.s32 $0xFFFFFEF7, lr;
	s5 =	simm.s32 $0xFFFFFFFF;
	p2 =	slt.u32 s8, $0xFFFFF086  }
0x1c: {  	p1 =	slt.u32 s9, $0xF7A;
	s5 =	simm.s32 @!p2 $0x0  }
0x1d: {  	s5 =	simm.s32 @p1 $0x1;
	p0 =	seq.s32 s7, s2  }
0x1e: {  	s7 =	smul.u32 @!p0 $0xF7A, s2;
	p2 =	seq.s32 @!p0 s5, $0x0  }
0x1f: {  	s9 =	smul.u32 $0xF7A, s1;
	s8 =	simm.s32 @!p0 $0x1BF5;
	p2 =	por !p2, p0  }
0x20: {  	[sflag:s8] =	ssyncset.s32 @!p0 $0xFFFFF086;
	s6 =	sadd.s32 @!p0 s3, s7;
	s7 =	simm.s32 @!p0 $0x108  }
0x21: {  	s3 =	sadd.s32 s3, s9;
	s6 =	sadd.s32 @!p0 $0x88, s6;
	s7 =	simm.s32 @p2 $0x1082  }
0x22: {  	[simem:s7], [sflag:s8] =	dma.local @!p0 [hbm:s6], $0xF7A  }
0x23: {  	s9 =	sor.u32 $0xD0000000, s2;
	s6 =	simm.s32 $0x108;
	_ =	swait.ge @!p0 [sflag:s8], $0x0  }
0x24: {  	s3 =	sadd.s32 $0x88, s3;
	s6 =	simm.s32 @!p1 $0x1082;
	[sflag:s4] =	ssyncset.s32 $0xFFFFF086  }
0x25: {  	[simem:s6], [sflag:s4] =	dma.local [hbm:s3], $0xF7A  }
0x26: {  	[smem:$0x3F9E] =	sst s1;
	(tag) =	ssettag s2;
	_ =	strace s9  }
0x27: {  	s1 =	sld [smem:$0x3FAE]  }
0x28: {  	s2 =	sld [smem:$0x3FAF]  }
0x29: {  	s4 =	sld [smem:$0x3FB1]  }
0x2a: {  	p0 =	seq.s32 s5, $0x0;
	s5 =	sld [smem:$0x3FB2]  }
0x2b: {  	s6 =	sld [smem:$0x3FB3]  }
0x2c: {  	s7 =	sld [smem:$0x3FB4]  }
0x2d: {  	s3 =	simm.s32 $0x108;
	s8 =	sld [smem:$0x3FB5]  }
0x2e: {  	s3 =	simm.s32 @!p0 $0x1082;
	s9 =	sld [smem:$0x3FB6]  }
0x2f: {  	lr =	sadd.s32 s0, s3;
	s0 =	sld [smem:$0x3FAD]  }
0x30: {  	s3 =	sld [smem:$0x3FB0]  }
0x31: {  	[smem:$0x3FB9] =	sst s10  }
0x32: {  	s10 =	sld [smem:$0x3FB7];
	_ =	sdelay $0x3  }
0x33: {  	p0 =	seq.s32 s10, $0x1;
	s10 =	sld [smem:$0x3FB9];
	_ =	sdelay $0x3  }
0x34: {  	[smem:$0x3FB9] =	sst s10  }
0x35: {  	s10 =	sld [smem:$0x3FB8];
	_ =	sdelay $0x3  }
0x36: {  	p1 =	seq.s32 s10, $0x1;
	s10 =	sld [smem:$0x3FB9];
	_ =	sdelay $0x3  }
0x37: {  	[smem:$0x3FB9] =	sst s10  }
0x38: {  	s10 =	sld [smem:$0x3FBA]  }
0x39: {  	_ = 	snop;
	(pc) =	sbr.ind lr, $3  }
0x3a: {  	_ = 	snop  }
0x3b: {  	_ = 	snop  }
0x3c: {  	p2 =	seq.s32 s10, $0x1;
	s10 =	sld [smem:$0x3FB9]  }
0x3d: {  	_ =	shalt  }
0x3e: {  	_ =	shalt  }
0x3f: {  	_ =	shalt  }
0x40: {  	_ =	shalt  }
0x41: {  	_ =	shalt  }
0x42: {  	_ =	shalt  }
0x43: {  	_ =	shalt  }
0x44: {  	_ =	shalt  }
0x45: {  	_ =	shalt  }
0x46: {  	_ =	shalt  }
0x47: {  	_ =	shalt  }
0x48: {  	_ =	shalt  }
0x49: {  	_ =	shalt  }
0x4a: {  	_ =	shalt  }
0x4b: {  	_ =	shalt  }
0x4c: {  	_ =	shalt  }
0x4d: {  	_ =	shalt  }
0x4e: {  	_ =	shalt  }
0x4f: {  	_ =	shalt  }
0x50: {  	_ =	shalt  }
0x51: {  	_ =	shalt  }
0x52: {  	_ =	shalt  }
0x53: {  	_ =	shalt  }
0x54: {  	_ =	shalt  }
0x55: {  	_ =	shalt  }
0x56: {  	_ =	shalt  }
0x57: {  	_ =	shalt  }
0x58: {  	_ =	shalt  }
0x59: {  	_ =	shalt  }
0x5a: {  	_ =	shalt  }
0x5b: {  	_ =	shalt  }
0x5c: {  	_ =	shalt  }
0x5d: {  	_ =	shalt  }
0x5e: {  	_ =	shalt  }
0x5f: {  	_ =	shalt  }
0x60: {  	_ =	shalt  }
0x61: {  	_ =	shalt  }
0x62: {  	_ =	shalt  }
0x63: {  	_ =	shalt  }
0x64: {  	_ =	shalt  }
0x65: {  	_ =	shalt  }
0x66: {  	_ =	shalt  }
0x67: {  	_ =	shalt  }
0x68: {  	_ =	shalt  }
0x69: {  	_ =	shalt  }
0x6a: {  	_ =	shalt  }
0x6b: {  	_ =	shalt  }
0x6c: {  	_ =	shalt  }
0x6d: {  	_ =	shalt  }
0x6e: {  	_ =	shalt  }
0x6f: {  	_ =	shalt  }
0x70: {  	_ =	shalt  }
0x71: {  	_ =	shalt  }
0x72: {  	_ =	shalt  }
0x73: {  	_ =	shalt  }
0x74: {  	_ =	shalt  }
0x75: {  	_ =	shalt  }
0x76: {  	_ =	shalt  }
0x77: {  	_ =	shalt  }
0x78: {  	_ =	shalt  }
0x79: {  	_ =	shalt  }
0x7a: {  	_ =	shalt  }
0x7b: {  	_ =	shalt  }
0x7c: {  	_ =	shalt  }
0x7d: {  	_ =	shalt  }
0x7e: {  	_ =	shalt  }
0x7f: {  	_ =	shalt  }
0x80: {  	_ =	shalt  }
0x81: {  	_ =	shalt  }
0x82: {  	_ =	shalt  }
0x83: {  	_ =	shalt  }
0x84: {  	_ =	shalt  }
0x85: {  	_ =	shalt  }
0x86: {  	_ =	shalt  }
0x87: {  	_ =	shalt  }
.Lfunc_end0:
.L_simem_size_0:
called_computation_lowered:
.L_overlay_start_0:
0x88: {  	s2 =	sld [smem:$0x3FD9]  }
0x89: {  	s3 =	sld [smem:$0x3FFE];
	_ =	sdelay $0x1  }
0x8a: {  	s1 =	srdreg.scid  }
0x8b: {  	s0 =	sand.u32 $0x1, s1  }
0x8c: {  	s17 =	sshll.u32 s0, $0xA;
	s2 =	sadd.s32 s3, s2  }
0x8d: {  	s2 =	sadd.s32 s2, s17  }
0x8e: {  	[smem:$0x3FC5] =	sst s2  }
0x8f: {  	_ = 	snop  }
0x90: {  	s2 =	sld [smem:$0x3FD0];
	(tm) =	ssettm $0x1  }
0x91: {  	s18 =	sld [smem:$0x3FFB];
	_ =	sdelay $0x3  }
0x92: {  	_ =	strace s18  }
0x93: {  	s3 =	sld [smem:$0x3FFC];
	_ =	sdelay $0x3  }
0x94: {  	_ =	strace s3  }
0x95: {  	s3 =	sld [smem:$0x3FFD];
	_ =	sdelay $0x3  }
0x96: {  	_ =	strace s3  }
0x97: {  	_ =	strace $0x8FFFFFFF  }
0x98: {  	s19 =	sld [smem:$0x3FDB];
	_ =	sdelay $0x1  }
0x99: {  	s4 =	simm.s32 $_scs_section_size  }
0x9a: {  	s5 =	simm.s32 $_size__tile_overlayer_lowered;
	s6 =	simm.s32 $_tile_overlayer_lowered  }
0x9b: {  	s22 =	simm.s32 $0x1BFF;
	s21 =	sshll.u32 s6, $0x1;
	s3 =	sadd.s32 s4, s19  }
0x9c: {  	s7 =	simm.s32 $0x0;
	s20 =	sshll.u32 s5, $0x1;
	s5 =	sadd.s32 s21, s3  }
0x9d: {  	[timem:s7], [sflag:s22] =	dma.local [hbm:s5], s20  }
0x9e: {  	_ =	swait.ge [sflag:s22], s20  }
0x9f: {  	s4 =	ssub.s32 $0x0, s20;
	[sflag:s22] =	ssyncset.done $0x0  }
0xa0: {  	[sflag:s22] =	ssyncadd.s32 s4;
	_ =	sdelay $0x1  }
0xa1: {  	s23 =	simm.s32 $0x1B8B  }
0xa2: {  	_ =	swait.ge [sflag:s23], $0x1  }
0xa3: {  	[sflag:s23] =	ssyncset.done $0x0  }
0xa4: {  	s25 =	simm.s32 $0x1B8E;
	s24 =	sld [smem:$0x3FFE];
	[sflag:s23] =	ssyncadd.s32 $0xFFFFFFFF  }
0xa5: {  	s26 =	simm.s32 $execute0_lowered;
	[smem:$0x3FD2] =	sst s25  }
0xa6: {  	s5 =	sshll.u32 s26, $0x1;
	_ =	strace $0x80000046;
	[dreg:$0x1] =	wrdreg $0xFFFFFFFF  }
0xa7: {  	s28 =	simm.s32 $_size_execute0_lowered;
	s3 =	sadd.s32 s3, s5;
	[dreg:$0x0] =	wrdreg $0x0  }
0xa8: {  	s5 =	sshll.u32 s28, $0x1;
	[dreg:$0x2] =	wrdreg s3  }
0xa9: {  	[dreg:$0x3] =	wrdreg s5  }
0xaa: {  	[dreg:$0x4] =	wrdreg $0xC0  }
0xab: {  	_ =	task [dreg:s7], $0x5FFFF  }
0xac: {  	[dreg:$0x1] =	wrdreg $0xFFFFFFFF  }
0xad: {  	[dreg:$0x0] =	wrdreg $0x60  }
0xae: {  	[dreg:$0x2] =	wrdreg s24  }
0xaf: {  	[dreg:$0x3] =	wrdreg s2  }
0xb0: {  	[dreg:$0x4] =	wrdreg $0x9  }
0xb1: {  	_ =	task.clear_ibuf [dreg:s7], $0x5FFFF;
	_ =	strace $0x90000046  }
0xb2: {  	s29 =	simm.s32 $0x9;
	_ =	strace $0x80000048  }
0xb3: {  	_ =	swait.ge [sflag:s29], $0x1  }
0xb4: {  	[sflag:s29] =	ssyncadd.s32 $0xFFFFFFFF  }
0xb5: {  	_ =	strace $0x90000048  }
0xb6: {  	_ =	sfence  }
0xb7: {  	s30 =	sld [smem:$0x0];
	_ =	sdelay $0x2  }
0xb8: {  	s31 =	sshll.u32 s1, $0xD;
	s1 =	sshrl.u32 s1, $0x2  }
0xb9: {  	s3 =	sand.u32 $0x4000, s31;
	s1 =	sadd.s32 s1, s30  }
0xba: {  	s0 =	sor.u32 s3, s0;
	s1 =	sshll.u32 s1, $0x11  }
0xbb: {  	s0 =	sor.u32 s1, s0  }
0xbc: {  	s0 =	sadd.s32 $0x8F2B, s0  }
0xbd: {  	[sflag:s0] =	ssyncadd.remote.s32 $0x1  }
0xbe: {  	_ =	sfence.sel $0xFFFF  }
0xbf: {  	[dreg:$0x0] =	wrdreg $0xFFFFFFFF;
	(pc) =	sbr.abs _section_cstart, $3  }
0xc0: {  	[dreg:$0x1] =	wrdreg $0xFFFFFFFF  }
0xc1: {  	_ =	task.clear_ibuf [dreg:s7], $0x2FFFF;
	_ =	strace $0x9FFFFFFF  }
0xc2: {  	(tm) =	ssettm $0x7FFFFFFF  }
0xc3: {  	_ =	shalt  }
tec
execute0_lowered:
.L_overlay_start_1:
0x0: {  	(tag) =	ssettag $0x1  }
0x1: {  	s4 =	rddreg [dreg:$0x0]  }
0x2: {  	s6 =	rddreg [dreg:$0x1]  }
0x3: {  	s2 =	simm.s32 $0x0;
	s0 =	srdreg.scid;
	s1 =	stileid.u32  }
0x4: {  	s28 =	simm.s32 $0x200;
	s30 =	simm.s32 $0x1;
	s29 =	simm.s32 $0x5  }
0x5: {  	p0 =	por $0x0, $0x0;
	[smem:$0x7FF] =	sst s2;
	s7 =	sand.u32 $0x1, s0  }
0x6: {  	s5 =	sshll.u32 s1, $0xB;
	s0 =	sadd.s32 $0x800, s4;
	s3 =	sadd.s32 $0x187200, s4  }
0x7: {  	s4 =	sadd.s32 $0x1800, s4;
	s8 =	sshll.u32 s7, $0xA;
	s7 =	ssub.s32 $0x2, s7  }
0x8: {  	_ =	strace $0x80000047;
	s5 =	sor.u32 s8, s5;
	s9 =	sshrl.u32 s7, $0x1  }
0x9: {  	s8 =	sshll.u32 s5, $0x4;
	s11 =	sshrl.u32 s5, $0x3;
	s23 =	sor.u32 $0x80, s5  }
0xa: {  	s1 =	sor.u32 $0x100, s5;
	s15 =	sor.u32 $0x180, s5;
	s10 =	sand.u32 $0x1C000, s8  }
0xb: {  	s22 =	sadd.s32 s0, s11;
	s25 =	sshrl.u32 s23, $0x3;
	s12 =	sshrl.u32 s1, $0x3  }
0xc: {  	s18 =	sadd.s32 s4, s8;
	s19 =	sshll.u32 s23, $0x4;
	s21 =	sshll.u32 s1, $0x4  }
0xd: {  	s23 =	sshll.u32 s15, $0x4;
	s31 =	sadd.s32 s6, s10;
	[dreg:$0x3] =	wrdreg s22  }
0xe: {  	s26 =	sadd.s32 s0, s25;
	s14 =	sadd.s32 s0, s12;
	[dreg:$0xa] =	wrdreg s18  }
0xf: {  	s20 =	sadd.s32 s4, s19;
	s22 =	sadd.s32 s4, s21;
	s25 =	sor.u32 $0x200, s5  }
0x10: {  	s10 =	sor.u32 $0x280, s5;
	s6 =	simm.s32 $0x80;
	[dreg:$0x5] =	wrdreg s26  }
0x11: {  	s21 =	simm.s32 $0x100;
	s24 =	sadd.s32 $0x800, s31;
	[dreg:$0x7] =	wrdreg s14  }
0x12: {  	s13 =	sadd.s32 $0x1000, s31;
	s16 =	sadd.s32 $0x1800, s31;
	[dreg:$0xb] =	wrdreg s20  }
0x13: {  	s14 =	ssub.s32 s7, s9;
	[dreg:$0xc] =	wrdreg s22;
	s26 =	sadd.s32 $0x2000, s31  }
0x14: {  	s1 =	sshrl.u32 s25, $0x3;
	s7 =	sshll.u32 s25, $0x4;
	[dreg:$0x4] =	wrdreg s24  }
0x15: {  	s11 =	sadd.s32 $0x2800, s31;
	s12 =	sshrl.u32 s10, $0x3;
	[dreg:$0x6] =	wrdreg s13  }
0x16: {  	s25 =	simm.s32 $0x6;
	s22 =	simm.s32 $0x7;
	[dreg:$0x8] =	wrdreg s16  }
0x17: {  	s13 =	sshrl.u32 s15, $0x3;
	s24 =	sadd.s32 s4, s23;
	[dreg:$0xe] =	wrdreg s26  }
0x18: {  	s8 =	sadd.s32 s0, s1;
	s9 =	sadd.s32 s4, s7;
	[dreg:$0x11] =	wrdreg s11  }
0x19: {  	s7 =	sshll.u32 s10, $0x4;
	s16 =	sor.u32 $0x300, s5;
	s5 =	sor.u32 $0x380, s5  }
0x1a: {  	s20 =	smax.u32 s14, $0x1;
	s10 =	simm.s32 $0xD;
	s26 =	simm.s32 $0x2  }
0x1b: {  	s23 =	simm.s32 $0x3;
	s14 =	simm.s32 $0xA;
	[dreg:$0xd] =	wrdreg s24  }
0x1c: {  	s11 =	simm.s32 $0xC;
	s17 =	sadd.s32 s0, s13;
	[dreg:$0xf] =	wrdreg s8  }
0x1d: {  	[dreg:$0x10] =	wrdreg s9;
	s13 =	sadd.s32 s0, s12;
	s15 =	sadd.s32 s4, s7  }
0x1e: {  	s18 =	sshll.u32 s16, $0x4;
	s19 =	sshrl.u32 s5, $0x3;
	s5 =	sshll.u32 s5, $0x4  }
0x1f: {  	s7 =	sadd.s32 $0x3800, s31;
	s24 =	simm.s32 $0x4200;
	[dreg:$0x9] =	wrdreg s17  }
0x20: {  	s12 =	simm.s32 $0x180;
	p1 =	sne.s32 s20, $0x1;
	[dreg:$0x12] =	wrdreg s13  }
.Ltmp0:
0x21: {  	[dreg:$0x13] =	wrdreg s15;
	s15 =	sadd.s32 $0x3000, s31;
	(pc) =	sbr.rel @!p1 .LBB2_3-.Ltmp0, $4  }
0x22: {  	s17 =	sshrl.u32 s16, $0x3;
	s9 =	sadd.s32 s4, s18;
	s8 =	sadd.s32 s0, s19  }
0x23: {  	s4 =	sadd.s32 s4, s5;
	s19 =	simm.s32 $0x8200;
	s5 =	simm.s32 $0xC200  }
0x24: {  	s18 =	simm.s32 $0x8;
	s16 =	simm.s32 $0x9;
	s13 =	simm.s32 $0xB  }
0x25: {  	s17 =	sadd.s32 s0, s17;
	s0 =	sadd.s32 $0xFFFFFFFF, s20;
	s20 =	simm.s32 $0x4  }
0x26: {  	[tilespmem:s28], [sflag:$0x1] =	stream.linear.gather [hbm4b:s31+s2], $0x4000, $0x38;
	[tilespmem:$0x10200] =	vst v63  }
0x27: {  	s1 =	rddreg [dreg:$0x3]  }
0x28: {  	[tilespmem:s2], [sflag:$0xD] =	stream.linear.gather [hbm4b:s1+s2], $0x80, $0x38;
	[tilespmem:$0x10200] =	vst v63  }
0x29: {  	_ =	swait.ge [sflag:s10], $0x80  }
0x2a: {  	[dreg:$0x14] =	wrdreg s0;
	[sflag:s10] =	ssyncset.done $0x0  }
0x2b: {  	s1 =	rddreg [dreg:$0x4];
	[sflag:s10] =	ssyncadd.s32 $0xFFFFFF80  }
0x2c: {  	[tilespmem:s24], [sflag:$0x2] =	stream.linear.gather [hbm4b:s1+s2], $0x4000, $0x38;
	[tilespmem:$0x10200] =	vst v63  }
0x2d: {  	s0 =	rddreg [dreg:$0x5]  }
0x2e: {  	[tilespmem:s6], [sflag:$0xD] =	stream.linear.gather [hbm4b:s0+s2], $0x80, $0x38;
	[tilespmem:$0x10200] =	vst v63  }
0x2f: {  	_ =	swait.ge [sflag:s10], $0x80  }
0x30: {  	[sflag:s10] =	ssyncset.done $0x0  }
0x31: {  	s0 =	rddreg [dreg:$0x6];
	[sflag:s10] =	ssyncadd.s32 $0xFFFFFF80  }
0x32: {  	[tilespmem:s19], [sflag:$0x3] =	stream.linear.gather [hbm4b:s0+s2], $0x4000, $0x38;
	[tilespmem:$0x10200] =	vst v63  }
0x33: {  	s1 =	rddreg [dreg:$0x7]  }
0x34: {  	[tilespmem:s21], [sflag:$0xD] =	stream.linear.gather [hbm4b:s1+s2], $0x80, $0x38;
	[tilespmem:$0x10200] =	vst v63  }
0x35: {  	_ =	swait.ge [sflag:s10], $0x80  }
0x36: {  	[sflag:s10] =	ssyncset.done $0x0  }
0x37: {  	s0 =	rddreg [dreg:$0x8];
	[sflag:s10] =	ssyncadd.s32 $0xFFFFFF80  }
0x38: {  	[tilespmem:s5], [sflag:$0x4] =	stream.linear.gather [hbm4b:s0+s2], $0x4000, $0x38;
	[tilespmem:$0x10200] =	vst v63  }
0x39: {  	s1 =	rddreg [dreg:$0x9]  }
0x3a: {  	[tilespmem:s12], [sflag:$0xD] =	stream.linear.gather [hbm4b:s1+s2], $0x80, $0x38;
	[tilespmem:$0x10200] =	vst v63  }
0x3b: {  	_ =	swait.ge [sflag:s10], $0x80  }
0x3c: {  	[sflag:s10] =	ssyncset.done $0x0  }
0x3d: {  	[sflag:s10] =	ssyncadd.s32 $0xFFFFFF80  }
0x3e: {  	_ =	swait.ge [sflag:s30], $0x4000  }
0x3f: {  	[sflag:s30] =	ssyncset.done $0x0  }
0x40: {  	[sflag:s30] =	ssyncadd.s32 $0xFFFFC000  }
0x41: {  	[tilespmem:s28], [sflag:$0x5] =	stream.indirect.gather.add.f32 [hbm:s3], $0x80, s2, s6, $0xb8;
	[tilespmem:$0x10200] =	vst v63  }
0x42: {  	_ =	swait.ge [sflag:s29], $0x4000  }
0x43: {  	[sflag:s29] =	ssyncset.done $0x0  }
0x44: {  	s1 =	rddreg [dreg:$0xa];
	[sflag:s29] =	ssyncadd.s32 $0xFFFFC000  }
0x45: {  	[hbm4b:s1+s2] =	stream.linear.scatter [tilespmem:s28], [sflag:$0x9], $0x4000, $0x38;
	[tilespmem:$0x10200] =	vst v63  }
0x46: {  	_ =	swait.ge [sflag:s26], $0x4000  }
0x47: {  	[sflag:s26] =	ssyncset.done $0x0  }
0x48: {  	[sflag:s26] =	ssyncadd.s32 $0xFFFFC000  }
0x49: {  	[tilespmem:s24], [sflag:$0x6] =	stream.indirect.gather.add.f32 [hbm:s3], $0x80, s6, s6, $0xb8;
	[tilespmem:$0x10200] =	vst v63  }
0x4a: {  	_ =	swait.ge [sflag:s25], $0x4000  }
0x4b: {  	[sflag:s25] =	ssyncset.done $0x0  }
0x4c: {  	s1 =	rddreg [dreg:$0xb];
	[sflag:s25] =	ssyncadd.s32 $0xFFFFC000  }
0x4d: {  	[hbm4b:s1+s2] =	stream.linear.scatter [tilespmem:s24], [sflag:$0xA], $0x4000, $0x38;
	[tilespmem:$0x10200] =	vst v63  }
0x4e: {  	_ =	swait.ge [sflag:s23], $0x4000  }
0x4f: {  	[sflag:s23] =	ssyncset.done $0x0  }
0x50: {  	[sflag:s23] =	ssyncadd.s32 $0xFFFFC000  }
0x51: {  	[tilespmem:s19], [sflag:$0x7] =	stream.indirect.gather.add.f32 [hbm:s3], $0x80, s21, s6, $0xb8;
	[tilespmem:$0x10200] =	vst v63  }
0x52: {  	_ =	swait.ge [sflag:s22], $0x4000  }
0x53: {  	[sflag:s22] =	ssyncset.done $0x0  }
0x54: {  	s1 =	rddreg [dreg:$0xc];
	[sflag:s22] =	ssyncadd.s32 $0xFFFFC000  }
0x55: {  	[hbm4b:s1+s2] =	stream.linear.scatter [tilespmem:s19], [sflag:$0xB], $0x4000, $0x38;
	[tilespmem:$0x10200] =	vst v63  }
0x56: {  	_ =	swait.ge [sflag:s20], $0x4000  }
0x57: {  	[sflag:s20] =	ssyncset.done $0x0  }
0x58: {  	[sflag:s20] =	ssyncadd.s32 $0xFFFFC000  }
0x59: {  	[tilespmem:s5], [sflag:$0x8] =	stream.indirect.gather.add.f32 [hbm:s3], $0x80, s12, s6, $0xb8;
	[tilespmem:$0x10200] =	vst v63  }
0x5a: {  	_ =	swait.ge [sflag:s18], $0x4000  }
0x5b: {  	[sflag:s18] =	ssyncset.done $0x0  }
0x5c: {  	s1 =	rddreg [dreg:$0xd];
	[sflag:s18] =	ssyncadd.s32 $0xFFFFC000  }
0x5d: {  	[hbm4b:s1+s2] =	stream.linear.scatter [tilespmem:s5], [sflag:$0xC], $0x4000, $0x38;
	[tilespmem:$0x10200] =	vst v63  }
0x5e: {  	_ =	swait.ge [sflag:s16], $0x4000  }
0x5f: {  	[sflag:s16] =	ssyncset.done $0x0  }
0x60: {  	s0 =	rddreg [dreg:$0xe];
	[sflag:s16] =	ssyncadd.s32 $0xFFFFC000  }
0x61: {  	[tilespmem:s28], [sflag:$0x1] =	stream.linear.gather [hbm4b:s0+s2], $0x4000, $0x38;
	[tilespmem:$0x10200] =	vst v63  }
0x62: {  	s1 =	rddreg [dreg:$0xf]  }
0x63: {  	[tilespmem:s2], [sflag:$0xD] =	stream.linear.gather [hbm4b:s1+s2], $0x80, $0x38;
	[tilespmem:$0x10200] =	vst v63  }
0x64: {  	_ =	swait.ge [sflag:s10], $0x80  }
0x65: {  	[sflag:s10] =	ssyncset.done $0x0  }
0x66: {  	[sflag:s10] =	ssyncadd.s32 $0xFFFFFF80  }
0x67: {  	_ =	swait.ge [sflag:s30], $0x4000  }
0x68: {  	[sflag:s30] =	ssyncset.done $0x0  }
0x69: {  	[sflag:s30] =	ssyncadd.s32 $0xFFFFC000  }
0x6a: {  	[tilespmem:s28], [sflag:$0x5] =	stream.indirect.gather.add.f32 [hbm:s3], $0x80, s2, s6, $0xb8;
	[tilespmem:$0x10200] =	vst v63  }
0x6b: {  	_ =	swait.ge [sflag:s29], $0x4000  }
0x6c: {  	[sflag:s29] =	ssyncset.done $0x0  }
0x6d: {  	s1 =	rddreg [dreg:$0x10];
	[sflag:s29] =	ssyncadd.s32 $0xFFFFC000  }
0x6e: {  	[hbm4b:s1+s2] =	stream.linear.scatter [tilespmem:s28], [sflag:$0x9], $0x4000, $0x38;
	[tilespmem:$0x10200] =	vst v63  }
0x6f: {  	_ =	swait.ge [sflag:s14], $0x4000  }
0x70: {  	[sflag:s14] =	ssyncset.done $0x0  }
0x71: {  	s0 =	rddreg [dreg:$0x11];
	[sflag:s14] =	ssyncadd.s32 $0xFFFFC000  }
0x72: {  	[tilespmem:s24], [sflag:$0x2] =	stream.linear.gather [hbm4b:s0+s2], $0x4000, $0x38;
	[tilespmem:$0x10200] =	vst v63  }
0x73: {  	s1 =	rddreg [dreg:$0x12]  }
0x74: {  	[tilespmem:s6], [sflag:$0xD] =	stream.linear.gather [hbm4b:s1+s2], $0x80, $0x38;
	[tilespmem:$0x10200] =	vst v63  }
0x75: {  	_ =	swait.ge [sflag:s10], $0x80  }
0x76: {  	[sflag:s10] =	ssyncset.done $0x0  }
0x77: {  	[sflag:s10] =	ssyncadd.s32 $0xFFFFFF80  }
0x78: {  	_ =	swait.ge [sflag:s26], $0x4000  }
0x79: {  	[sflag:s26] =	ssyncset.done $0x0  }
0x7a: {  	[sflag:s26] =	ssyncadd.s32 $0xFFFFC000  }
0x7b: {  	[tilespmem:s24], [sflag:$0x6] =	stream.indirect.gather.add.f32 [hbm:s3], $0x80, s6, s6, $0xb8;
	[tilespmem:$0x10200] =	vst v63  }
0x7c: {  	_ =	swait.ge [sflag:s25], $0x4000  }
0x7d: {  	[sflag:s25] =	ssyncset.done $0x0  }
0x7e: {  	s1 =	rddreg [dreg:$0x13];
	[sflag:s25] =	ssyncadd.s32 $0xFFFFC000  }
0x7f: {  	[hbm4b:s1+s2] =	stream.linear.scatter [tilespmem:s24], [sflag:$0xA], $0x4000, $0x38;
	[tilespmem:$0x10200] =	vst v63  }
0x80: {  	_ =	swait.ge [sflag:s13], $0x4000  }
0x81: {  	[sflag:s13] =	ssyncset.done $0x0  }
0x82: {  	[sflag:s13] =	ssyncadd.s32 $0xFFFFC000  }
0x83: {  	[tilespmem:s19], [sflag:$0x3] =	stream.linear.gather [hbm4b:s15+s2], $0x4000, $0x38;
	[tilespmem:$0x10200] =	vst v63  }
0x84: {  	_ = 	snop  }
0x85: {  	[tilespmem:s21], [sflag:$0xD] =	stream.linear.gather [hbm4b:s17+s2], $0x80, $0x38;
	[tilespmem:$0x10200] =	vst v63  }
0x86: {  	_ =	swait.ge [sflag:s10], $0x80  }
0x87: {  	[sflag:s10] =	ssyncset.done $0x0  }
0x88: {  	[sflag:s10] =	ssyncadd.s32 $0xFFFFFF80  }
0x89: {  	_ =	swait.ge [sflag:s23], $0x4000  }
0x8a: {  	[sflag:s23] =	ssyncset.done $0x0  }
0x8b: {  	[sflag:s23] =	ssyncadd.s32 $0xFFFFC000  }
0x8c: {  	[tilespmem:s19], [sflag:$0x7] =	stream.indirect.gather.add.f32 [hbm:s3], $0x80, s21, s6, $0xb8;
	[tilespmem:$0x10200] =	vst v63  }
0x8d: {  	_ =	swait.ge [sflag:s22], $0x4000  }
0x8e: {  	[sflag:s22] =	ssyncset.done $0x0  }
0x8f: {  	[sflag:s22] =	ssyncadd.s32 $0xFFFFC000  }
0x90: {  	[hbm4b:s9+s2] =	stream.linear.scatter [tilespmem:s19], [sflag:$0xB], $0x4000, $0x38;
	[tilespmem:$0x10200] =	vst v63  }
0x91: {  	_ =	swait.ge [sflag:s11], $0x4000  }
0x92: {  	[sflag:s11] =	ssyncset.done $0x0  }
0x93: {  	[sflag:s11] =	ssyncadd.s32 $0xFFFFC000  }
0x94: {  	[tilespmem:s5], [sflag:$0x4] =	stream.linear.gather [hbm4b:s7+s2], $0x4000, $0x38;
	[tilespmem:$0x10200] =	vst v63  }
0x95: {  	_ = 	snop  }
0x96: {  	[tilespmem:s12], [sflag:$0xD] =	stream.linear.gather [hbm4b:s8+s2], $0x80, $0x38;
	[tilespmem:$0x10200] =	vst v63  }
0x97: {  	_ =	swait.ge [sflag:s10], $0x80  }
0x98: {  	[sflag:s10] =	ssyncset.done $0x0  }
0x99: {  	[sflag:s10] =	ssyncadd.s32 $0xFFFFFF80  }
0x9a: {  	_ =	swait.ge [sflag:s20], $0x4000  }
0x9b: {  	[sflag:s20] =	ssyncset.done $0x0  }
0x9c: {  	[sflag:s20] =	ssyncadd.s32 $0xFFFFC000  }
0x9d: {  	[tilespmem:s5], [sflag:$0x8] =	stream.indirect.gather.add.f32 [hbm:s3], $0x80, s12, s6, $0xb8;
	[tilespmem:$0x10200] =	vst v63  }
0x9e: {  	_ =	swait.ge [sflag:s18], $0x4000  }
0x9f: {  	[sflag:s18] =	ssyncset.done $0x0  }
0xa0: {  	[sflag:s18] =	ssyncadd.s32 $0xFFFFC000  }
0xa1: {  	[hbm4b:s4+s2] =	stream.linear.scatter [tilespmem:s5], [sflag:$0xC], $0x4000, $0x38;
	[tilespmem:$0x10200] =	vst v63  }
0xa2: {  	_ =	swait.ge [sflag:s16], $0x4000  }
0xa3: {  	[sflag:s16] =	ssyncset.done $0x0  }
0xa4: {  	[sflag:s16] =	ssyncadd.s32 $0xFFFFC000  }
0xa5: {  	_ =	swait.ge [sflag:s14], $0x4000  }
0xa6: {  	[sflag:s14] =	ssyncset.done $0x0  }
0xa7: {  	[sflag:s14] =	ssyncadd.s32 $0xFFFFC000  }
0xa8: {  	_ =	swait.ge [sflag:s13], $0x4000  }
0xa9: {  	s1 =	rddreg [dreg:$0x14]  }
0xaa: {  	p1 =	sne.s32 s1, $0x1  }
.Ltmp1:
0xab: {  	_ = 	snop;
	(pc) =	sbr.rel @!p1 .LBB2_3-.Ltmp1, $4  }
0xac: {  	[sflag:s13] =	ssyncset.done $0x0  }
0xad: {  	[sflag:s13] =	ssyncadd.s32 $0xFFFFC000  }
0xae: {  	_ =	swait.ge [sflag:s11], $0x4000  }
0xaf: {  	p0 =	por $0x1, $0x1;
	s0 =	sadd.s32 $0xFFFFFFFF, s1;
	[sflag:s11] =	ssyncset.done $0x0  }
.LBB2_2:
0xb0: {  	[sflag:s11] =	ssyncadd.s32 $0xFFFFC000  }
0xb1: {  	[tilespmem:s28], [sflag:$0x1] =	stream.linear.gather [hbm4b:s31+s2], $0x4000, $0x38;
	[tilespmem:$0x10200] =	vst v63  }
0xb2: {  	s1 =	rddreg [dreg:$0x3]  }
0xb3: {  	[tilespmem:s2], [sflag:$0xD] =	stream.linear.gather [hbm4b:s1+s2], $0x80, $0x38;
	[tilespmem:$0x10200] =	vst v63  }
0xb4: {  	s12 =	smov.u32 s31;
	s31 =	smov.u32 s17;
	_ =	swait.ge [sflag:s10], $0x80  }
0xb5: {  	s17 =	smov.u32 s15;
	s15 =	smov.u32 s9;
	[sflag:s10] =	ssyncset.done $0x0  }
0xb6: {  	s9 =	smov.u32 s8;
	s1 =	rddreg [dreg:$0x4];
	[sflag:s10] =	ssyncadd.s32 $0xFFFFFF80  }
0xb7: {  	[tilespmem:s24], [sflag:$0x2] =	stream.linear.gather [hbm4b:s1+s2], $0x4000, $0x38;
	[tilespmem:$0x10200] =	vst v63  }
0xb8: {  	s8 =	smov.u32 s7;
	s7 =	smov.u32 s4;
	s4 =	rddreg [dreg:$0x5]  }
0xb9: {  	[tilespmem:s6], [sflag:$0xD] =	stream.linear.gather [hbm4b:s4+s2], $0x80, $0x38;
	[tilespmem:$0x10200] =	vst v63  }
0xba: {  	_ =	swait.ge [sflag:s10], $0x80  }
0xbb: {  	[sflag:s10] =	ssyncset.done $0x0  }
0xbc: {  	s1 =	rddreg [dreg:$0x6];
	[sflag:s10] =	ssyncadd.s32 $0xFFFFFF80  }
0xbd: {  	[tilespmem:s19], [sflag:$0x3] =	stream.linear.gather [hbm4b:s1+s2], $0x4000, $0x38;
	[tilespmem:$0x10200] =	vst v63  }
0xbe: {  	s5 =	simm.s32 $0x100;
	s4 =	rddreg [dreg:$0x7]  }
0xbf: {  	[tilespmem:s5], [sflag:$0xD] =	stream.linear.gather [hbm4b:s4+s2], $0x80, $0x38;
	[tilespmem:$0x10200] =	vst v63  }
0xc0: {  	_ =	swait.ge [sflag:s10], $0x80  }
0xc1: {  	[sflag:s10] =	ssyncset.done $0x0  }
0xc2: {  	s11 =	simm.s32 $0xC200;
	s1 =	rddreg [dreg:$0x8];
	[sflag:s10] =	ssyncadd.s32 $0xFFFFFF80  }
0xc3: {  	[tilespmem:s11], [sflag:$0x4] =	stream.linear.gather [hbm4b:s1+s2], $0x4000, $0x38;
	[tilespmem:$0x10200] =	vst v63  }
0xc4: {  	s21 =	simm.s32 $0x180;
	s4 =	rddreg [dreg:$0x9]  }
0xc5: {  	[tilespmem:s21], [sflag:$0xD] =	stream.linear.gather [hbm4b:s4+s2], $0x80, $0x38;
	[tilespmem:$0x10200] =	vst v63  }
0xc6: {  	_ =	swait.ge [sflag:s10], $0x80  }
0xc7: {  	[sflag:s10] =	ssyncset.done $0x0  }
0xc8: {  	[sflag:s10] =	ssyncadd.s32 $0xFFFFFF80  }
0xc9: {  	_ =	swait.ge [sflag:s30], $0x4000  }
0xca: {  	[sflag:s30] =	ssyncset.done $0x0  }
0xcb: {  	[sflag:s30] =	ssyncadd.s32 $0xFFFFC000  }
0xcc: {  	[tilespmem:s28], [sflag:$0x5] =	stream.indirect.gather.add.f32 [hbm:s3], $0x80, s2, s6, $0xb8;
	[tilespmem:$0x10200] =	vst v63  }
0xcd: {  	_ =	swait.ge [sflag:s29], $0x4000  }
0xce: {  	[sflag:s29] =	ssyncset.done $0x0  }
0xcf: {  	s4 =	rddreg [dreg:$0xa];
	[sflag:s29] =	ssyncadd.s32 $0xFFFFC000  }
0xd0: {  	[hbm4b:s4+s2] =	stream.linear.scatter [tilespmem:s28], [sflag:$0x9], $0x4000, $0x38;
	[tilespmem:$0x10200] =	vst v63  }
0xd1: {  	_ =	swait.ge [sflag:s26], $0x4000  }
0xd2: {  	[sflag:s26] =	ssyncset.done $0x0  }
0xd3: {  	[sflag:s26] =	ssyncadd.s32 $0xFFFFC000  }
0xd4: {  	[tilespmem:s24], [sflag:$0x6] =	stream.indirect.gather.add.f32 [hbm:s3], $0x80, s6, s6, $0xb8;
	[tilespmem:$0x10200] =	vst v63  }
0xd5: {  	_ =	swait.ge [sflag:s25], $0x4000  }
0xd6: {  	[sflag:s25] =	ssyncset.done $0x0  }
0xd7: {  	s4 =	rddreg [dreg:$0xb];
	[sflag:s25] =	ssyncadd.s32 $0xFFFFC000  }
0xd8: {  	[hbm4b:s4+s2] =	stream.linear.scatter [tilespmem:s24], [sflag:$0xA], $0x4000, $0x38;
	[tilespmem:$0x10200] =	vst v63  }
0xd9: {  	_ =	swait.ge [sflag:s23], $0x4000  }
0xda: {  	[sflag:s23] =	ssyncset.done $0x0  }
0xdb: {  	[sflag:s23] =	ssyncadd.s32 $0xFFFFC000  }
0xdc: {  	[tilespmem:s19], [sflag:$0x7] =	stream.indirect.gather.add.f32 [hbm:s3], $0x80, s5, s6, $0xb8;
	[tilespmem:$0x10200] =	vst v63  }
0xdd: {  	_ =	swait.ge [sflag:s22], $0x4000  }
0xde: {  	[sflag:s22] =	ssyncset.done $0x0  }
0xdf: {  	s4 =	rddreg [dreg:$0xc];
	[sflag:s22] =	ssyncadd.s32 $0xFFFFC000  }
0xe0: {  	[hbm4b:s4+s2] =	stream.linear.scatter [tilespmem:s19], [sflag:$0xB], $0x4000, $0x38;
	[tilespmem:$0x10200] =	vst v63  }
0xe1: {  	_ =	swait.ge [sflag:s20], $0x4000  }
0xe2: {  	[sflag:s20] =	ssyncset.done $0x0  }
0xe3: {  	s5 =	simm.s32 $0xC200;
	[sflag:s20] =	ssyncadd.s32 $0xFFFFC000  }
0xe4: {  	[tilespmem:s5], [sflag:$0x8] =	stream.indirect.gather.add.f32 [hbm:s3], $0x80, s21, s6, $0xb8;
	[tilespmem:$0x10200] =	vst v63  }
0xe5: {  	_ =	swait.ge [sflag:s18], $0x4000  }
0xe6: {  	[sflag:s18] =	ssyncset.done $0x0  }
0xe7: {  	s4 =	rddreg [dreg:$0xd];
	[sflag:s18] =	ssyncadd.s32 $0xFFFFC000  }
0xe8: {  	[hbm4b:s4+s2] =	stream.linear.scatter [tilespmem:s5], [sflag:$0xC], $0x4000, $0x38;
	[tilespmem:$0x10200] =	vst v63  }
0xe9: {  	_ =	swait.ge [sflag:s16], $0x4000  }
0xea: {  	[sflag:s16] =	ssyncset.done $0x0  }
0xeb: {  	s1 =	rddreg [dreg:$0xe];
	[sflag:s16] =	ssyncadd.s32 $0xFFFFC000  }
0xec: {  	[tilespmem:s28], [sflag:$0x1] =	stream.linear.gather [hbm4b:s1+s2], $0x4000, $0x38;
	[tilespmem:$0x10200] =	vst v63  }
0xed: {  	s4 =	rddreg [dreg:$0xf]  }
0xee: {  	[tilespmem:s2], [sflag:$0xD] =	stream.linear.gather [hbm4b:s4+s2], $0x80, $0x38;
	[tilespmem:$0x10200] =	vst v63  }
0xef: {  	_ =	swait.ge [sflag:s10], $0x80  }
0xf0: {  	[sflag:s10] =	ssyncset.done $0x0  }
0xf1: {  	[sflag:s10] =	ssyncadd.s32 $0xFFFFFF80  }
0xf2: {  	_ =	swait.ge [sflag:s30], $0x4000  }
0xf3: {  	[sflag:s30] =	ssyncset.done $0x0  }
0xf4: {  	[sflag:s30] =	ssyncadd.s32 $0xFFFFC000  }
0xf5: {  	[tilespmem:s28], [sflag:$0x5] =	stream.indirect.gather.add.f32 [hbm:s3], $0x80, s2, s6, $0xb8;
	[tilespmem:$0x10200] =	vst v63  }
0xf6: {  	_ =	swait.ge [sflag:s29], $0x4000  }
0xf7: {  	[sflag:s29] =	ssyncset.done $0x0  }
0xf8: {  	s4 =	rddreg [dreg:$0x10];
	[sflag:s29] =	ssyncadd.s32 $0xFFFFC000  }
0xf9: {  	[hbm4b:s4+s2] =	stream.linear.scatter [tilespmem:s28], [sflag:$0x9], $0x4000, $0x38;
	[tilespmem:$0x10200] =	vst v63  }
0xfa: {  	_ =	swait.ge [sflag:s14], $0x4000  }
0xfb: {  	[sflag:s14] =	ssyncset.done $0x0  }
0xfc: {  	s1 =	rddreg [dreg:$0x11];
	[sflag:s14] =	ssyncadd.s32 $0xFFFFC000  }
0xfd: {  	[tilespmem:s24], [sflag:$0x2] =	stream.linear.gather [hbm4b:s1+s2], $0x4000, $0x38;
	[tilespmem:$0x10200] =	vst v63  }
0xfe: {  	s4 =	rddreg [dreg:$0x12]  }
0xff: {  	[tilespmem:s6], [sflag:$0xD] =	stream.linear.gather [hbm4b:s4+s2], $0x80, $0x38;
	[tilespmem:$0x10200] =	vst v63  }
0x100: {  	_ =	swait.ge [sflag:s10], $0x80  }
0x101: {  	[sflag:s10] =	ssyncset.done $0x0  }
0x102: {  	[sflag:s10] =	ssyncadd.s32 $0xFFFFFF80  }
0x103: {  	_ =	swait.ge [sflag:s26], $0x4000  }
0x104: {  	[sflag:s26] =	ssyncset.done $0x0  }
0x105: {  	[sflag:s26] =	ssyncadd.s32 $0xFFFFC000  }
0x106: {  	[tilespmem:s24], [sflag:$0x6] =	stream.indirect.gather.add.f32 [hbm:s3], $0x80, s6, s6, $0xb8;
	[tilespmem:$0x10200] =	vst v63  }
0x107: {  	_ =	swait.ge [sflag:s25], $0x4000  }
0x108: {  	[sflag:s25] =	ssyncset.done $0x0  }
0x109: {  	s1 =	rddreg [dreg:$0x13];
	[sflag:s25] =	ssyncadd.s32 $0xFFFFC000  }
0x10a: {  	[hbm4b:s1+s2] =	stream.linear.scatter [tilespmem:s24], [sflag:$0xA], $0x4000, $0x38;
	[tilespmem:$0x10200] =	vst v63  }
0x10b: {  	s4 =	smov.u32 s7;
	_ =	swait.ge [sflag:s13], $0x4000  }
0x10c: {  	s7 =	smov.u32 s8;
	s8 =	smov.u32 s9;
	[sflag:s13] =	ssyncset.done $0x0  }
0x10d: {  	s9 =	smov.u32 s15;
	s15 =	smov.u32 s17;
	[sflag:s13] =	ssyncadd.s32 $0xFFFFC000  }
0x10e: {  	[tilespmem:s19], [sflag:$0x3] =	stream.linear.gather [hbm4b:s15+s2], $0x4000, $0x38;
	[tilespmem:$0x10200] =	vst v63  }
0x10f: {  	s21 =	simm.s32 $0x100;
	s17 =	smov.u32 s31  }
0x110: {  	[tilespmem:s21], [sflag:$0xD] =	stream.linear.gather [hbm4b:s17+s2], $0x80, $0x38;
	[tilespmem:$0x10200] =	vst v63  }
0x111: {  	_ =	swait.ge [sflag:s10], $0x80  }
0x112: {  	[sflag:s10] =	ssyncset.done $0x0  }
0x113: {  	[sflag:s10] =	ssyncadd.s32 $0xFFFFFF80  }
0x114: {  	_ =	swait.ge [sflag:s23], $0x4000  }
0x115: {  	[sflag:s23] =	ssyncset.done $0x0  }
0x116: {  	[sflag:s23] =	ssyncadd.s32 $0xFFFFC000  }
0x117: {  	[tilespmem:s19], [sflag:$0x7] =	stream.indirect.gather.add.f32 [hbm:s3], $0x80, s21, s6, $0xb8;
	[tilespmem:$0x10200] =	vst v63  }
0x118: {  	_ =	swait.ge [sflag:s22], $0x4000  }
0x119: {  	[sflag:s22] =	ssyncset.done $0x0  }
0x11a: {  	s11 =	simm.s32 $0xC;
	[sflag:s22] =	ssyncadd.s32 $0xFFFFC000  }
0x11b: {  	[hbm4b:s9+s2] =	stream.linear.scatter [tilespmem:s19], [sflag:$0xB], $0x4000, $0x38;
	[tilespmem:$0x10200] =	vst v63  }
0x11c: {  	_ =	swait.ge [sflag:s11], $0x4000  }
0x11d: {  	[sflag:s11] =	ssyncset.done $0x0  }
0x11e: {  	[sflag:s11] =	ssyncadd.s32 $0xFFFFC000  }
0x11f: {  	[tilespmem:s5], [sflag:$0x4] =	stream.linear.gather [hbm4b:s7+s2], $0x4000, $0x38;
	[tilespmem:$0x10200] =	vst v63  }
0x120: {  	s31 =	smov.u32 s12;
	s12 =	simm.s32 $0x180  }
0x121: {  	[tilespmem:s12], [sflag:$0xD] =	stream.linear.gather [hbm4b:s8+s2], $0x80, $0x38;
	[tilespmem:$0x10200] =	vst v63  }
0x122: {  	_ =	swait.ge [sflag:s10], $0x80  }
0x123: {  	[sflag:s10] =	ssyncset.done $0x0  }
0x124: {  	[sflag:s10] =	ssyncadd.s32 $0xFFFFFF80  }
0x125: {  	_ =	swait.ge [sflag:s20], $0x4000  }
0x126: {  	[sflag:s20] =	ssyncset.done $0x0  }
0x127: {  	[sflag:s20] =	ssyncadd.s32 $0xFFFFC000  }
0x128: {  	[tilespmem:s5], [sflag:$0x8] =	stream.indirect.gather.add.f32 [hbm:s3], $0x80, s12, s6, $0xb8;
	[tilespmem:$0x10200] =	vst v63  }
0x129: {  	_ =	swait.ge [sflag:s18], $0x4000  }
0x12a: {  	[sflag:s18] =	ssyncset.done $0x0  }
0x12b: {  	[sflag:s18] =	ssyncadd.s32 $0xFFFFC000  }
0x12c: {  	[hbm4b:s4+s2] =	stream.linear.scatter [tilespmem:s5], [sflag:$0xC], $0x4000, $0x38;
	[tilespmem:$0x10200] =	vst v63  }
0x12d: {  	_ =	swait.ge [sflag:s16], $0x4000  }
0x12e: {  	[sflag:s16] =	ssyncset.done $0x0  }
0x12f: {  	[sflag:s16] =	ssyncadd.s32 $0xFFFFC000  }
0x130: {  	_ =	swait.ge [sflag:s14], $0x4000  }
0x131: {  	[sflag:s14] =	ssyncset.done $0x0  }
0x132: {  	p1 =	sne.s32 s0, $0x1;
	[sflag:s14] =	ssyncadd.s32 $0xFFFFC000  }
.Ltmp2:
0x133: {  	_ =	swait.ge [sflag:s13], $0x4000;
	(pc) =	sbr.rel @p1 .LBB2_2-.Ltmp2, $4  }
0x134: {  	[sflag:s13] =	ssyncset.done $0x0  }
0x135: {  	[sflag:s13] =	ssyncadd.s32 $0xFFFFC000  }
0x136: {  	_ =	swait.ge [sflag:s11], $0x4000  }
0x137: {  	s0 =	sadd.s32 $0xFFFFFFFF, s0;
	[sflag:s11] =	ssyncset.done $0x0  }
.LBB2_3:
0x138: {  	[sflag:s11] =	ssyncadd.s32 @p0 $0xFFFFC000  }
0x139: {  	[tilespmem:s28], [sflag:$0x1] =	stream.linear.gather [hbm4b:s31+s2], $0x4000, $0x38;
	[tilespmem:$0x10200] =	vst v63  }
0x13a: {  	s0 =	rddreg [dreg:$0x3]  }
0x13b: {  	[tilespmem:s2], [sflag:$0xD] =	stream.linear.gather [hbm4b:s0+s2], $0x80, $0x38;
	[tilespmem:$0x10200] =	vst v63  }
0x13c: {  	_ =	swait.ge [sflag:s10], $0x80  }
0x13d: {  	[sflag:s10] =	ssyncset.done $0x0  }
0x13e: {  	s31 =	rddreg [dreg:$0x4];
	[sflag:s10] =	ssyncadd.s32 $0xFFFFFF80  }
0x13f: {  	[tilespmem:s24], [sflag:$0x2] =	stream.linear.gather [hbm4b:s31+s2], $0x4000, $0x38;
	[tilespmem:$0x10200] =	vst v63  }
0x140: {  	s1 =	rddreg [dreg:$0x5]  }
0x141: {  	[tilespmem:s6], [sflag:$0xD] =	stream.linear.gather [hbm4b:s1+s2], $0x80, $0x38;
	[tilespmem:$0x10200] =	vst v63  }
0x142: {  	_ =	swait.ge [sflag:s10], $0x80  }
0x143: {  	[sflag:s10] =	ssyncset.done $0x0  }
0x144: {  	s1 =	rddreg [dreg:$0x6];
	[sflag:s10] =	ssyncadd.s32 $0xFFFFFF80  }
0x145: {  	[tilespmem:s19], [sflag:$0x3] =	stream.linear.gather [hbm4b:s1+s2], $0x4000, $0x38;
	[tilespmem:$0x10200] =	vst v63  }
0x146: {  	s31 =	rddreg [dreg:$0x7]  }
0x147: {  	[tilespmem:s21], [sflag:$0xD] =	stream.linear.gather [hbm4b:s31+s2], $0x80, $0x38;
	[tilespmem:$0x10200] =	vst v63  }
0x148: {  	_ =	swait.ge [sflag:s10], $0x80  }
0x149: {  	[sflag:s10] =	ssyncset.done $0x0  }
0x14a: {  	s1 =	rddreg [dreg:$0x8];
	[sflag:s10] =	ssyncadd.s32 $0xFFFFFF80  }
0x14b: {  	[tilespmem:s5], [sflag:$0x4] =	stream.linear.gather [hbm4b:s1+s2], $0x4000, $0x38;
	[tilespmem:$0x10200] =	vst v63  }
0x14c: {  	s31 =	rddreg [dreg:$0x9]  }
0x14d: {  	[tilespmem:s12], [sflag:$0xD] =	stream.linear.gather [hbm4b:s31+s2], $0x80, $0x38;
	[tilespmem:$0x10200] =	vst v63  }
0x14e: {  	_ =	swait.ge [sflag:s10], $0x80  }
0x14f: {  	[sflag:s10] =	ssyncset.done $0x0  }
0x150: {  	[sflag:s10] =	ssyncadd.s32 $0xFFFFFF80  }
0x151: {  	_ =	swait.ge [sflag:s30], $0x4000  }
0x152: {  	[sflag:s30] =	ssyncset.done $0x0  }
0x153: {  	[sflag:s30] =	ssyncadd.s32 $0xFFFFC000  }
0x154: {  	[tilespmem:s28], [sflag:$0x5] =	stream.indirect.gather.add.f32 [hbm:s3], $0x80, s2, s6, $0xb8;
	[tilespmem:$0x10200] =	vst v63  }
0x155: {  	_ =	swait.ge [sflag:s29], $0x4000  }
0x156: {  	[sflag:s29] =	ssyncset.done $0x0  }
0x157: {  	s1 =	rddreg [dreg:$0xa];
	[sflag:s29] =	ssyncadd.s32 $0xFFFFC000  }
0x158: {  	[hbm4b:s1+s2] =	stream.linear.scatter [tilespmem:s28], [sflag:$0x9], $0x4000, $0x38;
	[tilespmem:$0x10200] =	vst v63  }
0x159: {  	_ =	swait.ge [sflag:s26], $0x4000  }
0x15a: {  	[sflag:s26] =	ssyncset.done $0x0  }
0x15b: {  	[sflag:s26] =	ssyncadd.s32 $0xFFFFC000  }
0x15c: {  	[tilespmem:s24], [sflag:$0x6] =	stream.indirect.gather.add.f32 [hbm:s3], $0x80, s6, s6, $0xb8;
	[tilespmem:$0x10200] =	vst v63  }
0x15d: {  	_ =	swait.ge [sflag:s25], $0x4000  }
0x15e: {  	[sflag:s25] =	ssyncset.done $0x0  }
0x15f: {  	s31 =	rddreg [dreg:$0xb];
	[sflag:s25] =	ssyncadd.s32 $0xFFFFC000  }
0x160: {  	[hbm4b:s31+s2] =	stream.linear.scatter [tilespmem:s24], [sflag:$0xA], $0x4000, $0x38;
	[tilespmem:$0x10200] =	vst v63  }
0x161: {  	_ =	swait.ge [sflag:s23], $0x4000  }
0x162: {  	[sflag:s23] =	ssyncset.done $0x0  }
0x163: {  	[sflag:s23] =	ssyncadd.s32 $0xFFFFC000  }
0x164: {  	[tilespmem:s19], [sflag:$0x7] =	stream.indirect.gather.add.f32 [hbm:s3], $0x80, s21, s6, $0xb8;
	[tilespmem:$0x10200] =	vst v63  }
0x165: {  	_ =	swait.ge [sflag:s22], $0x4000  }
0x166: {  	[sflag:s22] =	ssyncset.done $0x0  }
0x167: {  	s1 =	rddreg [dreg:$0xc];
	[sflag:s22] =	ssyncadd.s32 $0xFFFFC000  }
0x168: {  	[hbm4b:s1+s2] =	stream.linear.scatter [tilespmem:s19], [sflag:$0xB], $0x4000, $0x38;
	[tilespmem:$0x10200] =	vst v63  }
0x169: {  	_ =	swait.ge [sflag:s20], $0x4000  }
0x16a: {  	[sflag:s20] =	ssyncset.done $0x0  }
0x16b: {  	[sflag:s20] =	ssyncadd.s32 $0xFFFFC000  }
0x16c: {  	[tilespmem:s5], [sflag:$0x8] =	stream.indirect.gather.add.f32 [hbm:s3], $0x80, s12, s6, $0xb8;
	[tilespmem:$0x10200] =	vst v63  }
0x16d: {  	_ =	swait.ge [sflag:s18], $0x4000  }
0x16e: {  	[sflag:s18] =	ssyncset.done $0x0  }
0x16f: {  	s31 =	rddreg [dreg:$0xd];
	[sflag:s18] =	ssyncadd.s32 $0xFFFFC000  }
0x170: {  	[hbm4b:s31+s2] =	stream.linear.scatter [tilespmem:s5], [sflag:$0xC], $0x4000, $0x38;
	[tilespmem:$0x10200] =	vst v63  }
0x171: {  	_ =	swait.ge [sflag:s16], $0x4000  }
0x172: {  	[sflag:s16] =	ssyncset.done $0x0  }
0x173: {  	s1 =	rddreg [dreg:$0xe];
	[sflag:s16] =	ssyncadd.s32 $0xFFFFC000  }
0x174: {  	[tilespmem:s28], [sflag:$0x1] =	stream.linear.gather [hbm4b:s1+s2], $0x4000, $0x38;
	[tilespmem:$0x10200] =	vst v63  }
0x175: {  	s31 =	rddreg [dreg:$0xf]  }
0x176: {  	[tilespmem:s2], [sflag:$0xD] =	stream.linear.gather [hbm4b:s31+s2], $0x80, $0x38;
	[tilespmem:$0x10200] =	vst v63  }
0x177: {  	_ =	swait.ge [sflag:s10], $0x80  }
0x178: {  	[sflag:s10] =	ssyncset.done $0x0  }
0x179: {  	[sflag:s10] =	ssyncadd.s32 $0xFFFFFF80  }
0x17a: {  	_ =	swait.ge [sflag:s30], $0x4000  }
0x17b: {  	[sflag:s30] =	ssyncset.done $0x0  }
0x17c: {  	[sflag:s30] =	ssyncadd.s32 $0xFFFFC000  }
0x17d: {  	[tilespmem:s28], [sflag:$0x5] =	stream.indirect.gather.add.f32 [hbm:s3], $0x80, s2, s6, $0xb8;
	[tilespmem:$0x10200] =	vst v63  }
0x17e: {  	_ =	swait.ge [sflag:s29], $0x4000  }
0x17f: {  	[sflag:s29] =	ssyncset.done $0x0  }
0x180: {  	s1 =	rddreg [dreg:$0x10];
	[sflag:s29] =	ssyncadd.s32 $0xFFFFC000  }
0x181: {  	[hbm4b:s1+s2] =	stream.linear.scatter [tilespmem:s28], [sflag:$0x9], $0x4000, $0x38;
	[tilespmem:$0x10200] =	vst v63  }
0x182: {  	_ =	swait.ge [sflag:s14], $0x4000  }
0x183: {  	[sflag:s14] =	ssyncset.done $0x0  }
0x184: {  	s28 =	rddreg [dreg:$0x11];
	[sflag:s14] =	ssyncadd.s32 $0xFFFFC000  }
0x185: {  	[tilespmem:s24], [sflag:$0x2] =	stream.linear.gather [hbm4b:s28+s2], $0x4000, $0x38;
	[tilespmem:$0x10200] =	vst v63  }
0x186: {  	s29 =	rddreg [dreg:$0x12]  }
0x187: {  	[tilespmem:s6], [sflag:$0xD] =	stream.linear.gather [hbm4b:s29+s2], $0x80, $0x38;
	[tilespmem:$0x10200] =	vst v63  }
0x188: {  	_ =	swait.ge [sflag:s10], $0x80  }
0x189: {  	[sflag:s10] =	ssyncset.done $0x0  }
0x18a: {  	[sflag:s10] =	ssyncadd.s32 $0xFFFFFF80  }
0x18b: {  	_ =	swait.ge [sflag:s26], $0x4000  }
0x18c: {  	[sflag:s26] =	ssyncset.done $0x0  }
0x18d: {  	[sflag:s26] =	ssyncadd.s32 $0xFFFFC000  }
0x18e: {  	[tilespmem:s24], [sflag:$0x6] =	stream.indirect.gather.add.f32 [hbm:s3], $0x80, s6, s6, $0xb8;
	[tilespmem:$0x10200] =	vst v63  }
0x18f: {  	_ =	swait.ge [sflag:s25], $0x4000  }
0x190: {  	[sflag:s25] =	ssyncset.done $0x0  }
0x191: {  	s30 =	rddreg [dreg:$0x13];
	[sflag:s25] =	ssyncadd.s32 $0xFFFFC000  }
0x192: {  	[hbm4b:s30+s2] =	stream.linear.scatter [tilespmem:s24], [sflag:$0xA], $0x4000, $0x38;
	[tilespmem:$0x10200] =	vst v63  }
0x193: {  	_ =	swait.ge [sflag:s13], $0x4000  }
0x194: {  	[sflag:s13] =	ssyncset.done $0x0  }
0x195: {  	[sflag:s13] =	ssyncadd.s32 $0xFFFFC000  }
0x196: {  	[tilespmem:s19], [sflag:$0x3] =	stream.linear.gather [hbm4b:s15+s2], $0x4000, $0x38;
	[tilespmem:$0x10200] =	vst v63  }
0x197: {  	_ = 	snop  }
0x198: {  	[tilespmem:s21], [sflag:$0xD] =	stream.linear.gather [hbm4b:s17+s2], $0x80, $0x38;
	[tilespmem:$0x10200] =	vst v63  }
0x199: {  	_ =	swait.ge [sflag:s10], $0x80  }
0x19a: {  	[sflag:s10] =	ssyncset.done $0x0  }
0x19b: {  	[sflag:s10] =	ssyncadd.s32 $0xFFFFFF80  }
0x19c: {  	_ =	swait.ge [sflag:s23], $0x4000  }
0x19d: {  	[sflag:s23] =	ssyncset.done $0x0  }
0x19e: {  	[sflag:s23] =	ssyncadd.s32 $0xFFFFC000  }
0x19f: {  	[tilespmem:s19], [sflag:$0x7] =	stream.indirect.gather.add.f32 [hbm:s3], $0x80, s21, s6, $0xb8;
	[tilespmem:$0x10200] =	vst v63  }
0x1a0: {  	_ =	swait.ge [sflag:s22], $0x4000  }
0x1a1: {  	[sflag:s22] =	ssyncset.done $0x0  }
0x1a2: {  	[sflag:s22] =	ssyncadd.s32 $0xFFFFC000  }
0x1a3: {  	[hbm4b:s9+s2] =	stream.linear.scatter [tilespmem:s19], [sflag:$0xB], $0x4000, $0x38;
	[tilespmem:$0x10200] =	vst v63  }
0x1a4: {  	_ =	swait.ge [sflag:s11], $0x4000  }
0x1a5: {  	[sflag:s11] =	ssyncset.done $0x0  }
0x1a6: {  	[sflag:s11] =	ssyncadd.s32 $0xFFFFC000  }
0x1a7: {  	[tilespmem:s5], [sflag:$0x4] =	stream.linear.gather [hbm4b:s7+s2], $0x4000, $0x38;
	[tilespmem:$0x10200] =	vst v63  }
0x1a8: {  	_ = 	snop  }
0x1a9: {  	[tilespmem:s12], [sflag:$0xD] =	stream.linear.gather [hbm4b:s8+s2], $0x80, $0x38;
	[tilespmem:$0x10200] =	vst v63  }
0x1aa: {  	_ =	swait.ge [sflag:s10], $0x80  }
0x1ab: {  	[sflag:s10] =	ssyncset.done $0x0  }
0x1ac: {  	[sflag:s10] =	ssyncadd.s32 $0xFFFFFF80  }
0x1ad: {  	_ =	swait.ge [sflag:s20], $0x4000  }
0x1ae: {  	[sflag:s20] =	ssyncset.done $0x0  }
0x1af: {  	[sflag:s20] =	ssyncadd.s32 $0xFFFFC000  }
0x1b0: {  	[tilespmem:s5], [sflag:$0x8] =	stream.indirect.gather.add.f32 [hbm:s3], $0x80, s12, s6, $0xb8;
	[tilespmem:$0x10200] =	vst v63  }
0x1b1: {  	_ =	swait.ge [sflag:s18], $0x4000  }
0x1b2: {  	[sflag:s18] =	ssyncset.done $0x0  }
0x1b3: {  	[sflag:s18] =	ssyncadd.s32 $0xFFFFC000  }
0x1b4: {  	[hbm4b:s4+s2] =	stream.linear.scatter [tilespmem:s5], [sflag:$0xC], $0x4000, $0x38;
	[tilespmem:$0x10200] =	vst v63  }
0x1b5: {  	_ =	swait.ge [sflag:s16], $0x4000  }
0x1b6: {  	[sflag:s16] =	ssyncset.done $0x0  }
0x1b7: {  	[sflag:s16] =	ssyncadd.s32 $0xFFFFC000  }
0x1b8: {  	_ =	swait.ge [sflag:s14], $0x4000  }
0x1b9: {  	[sflag:s14] =	ssyncset.done $0x0  }
0x1ba: {  	[sflag:s14] =	ssyncadd.s32 $0xFFFFC000  }
0x1bb: {  	_ =	swait.ge [sflag:s13], $0x4000  }
0x1bc: {  	[sflag:s13] =	ssyncset.done $0x0  }
0x1bd: {  	[sflag:s13] =	ssyncadd.s32 $0xFFFFC000  }
0x1be: {  	_ =	swait.ge [sflag:s11], $0x4000  }
0x1bf: {  	[sflag:s11] =	ssyncset.done $0x0  }
0x1c0: {  	[sflag:s11] =	ssyncadd.s32 $0xFFFFC000  }
0x1c1: {  	_ =	sfence.sel $0x180000  }
0x1c2: {  	[bflag:$0x0] =	sbarrier.arrive $0xFFFF  }
0x1c3: {  	_ =	strace $0x90000047  }
0x1c4: {  	s31 =	stileid.u32;
	[bflag:$0x2] =	sbarrier.arrive $0xFFFF  }
0x1c5: {  	p0 =	sne.s32 s31, $0x0;
	s0 =	rddreg [dreg:$0x2]  }
0x1c6: {  	s0 =	sadd.s32 @!p0 $0x100000, s0  }
0x1c7: {  	[sflag:s0] =	ssyncadd.tile.s32 @!p0 $0x1;
	_ =	shalt  }
.Lfunc_end2:
_tile_overlayer_lowered:
.L_overlay_start_2:
0x1c8: {  	(tag) =	ssettag $0x2  }
0x1c9: {  	s0 =	rddreg [dreg:$0x0];
	s2 =	stileid.u32  }
0x1ca: {  	s1 =	rddreg [dreg:$0x1];
	p0 =	sne.s32 s2, $0x0  }
0x1cb: {  	s3 =	rddreg [dreg:$0x2];
	[bflag:$0x3] =	sbarrier.arrive $0xFFFF;
	s2 =	simm.s32 @!p0 $0x1C0D  }
0x1cc: {  	[timem:s3], [sflag:s2] =	dma.local @!p0 [hbm:s0], s1  }
0x1cd: {  	s0 =	simm.s32 @!p0 $0xD  }
0x1ce: {  	_ =	swait.ge @!p0 [sflag:s0], s1  }
0x1cf: {  	s1 =	ssub.s32 @!p0 $0x0, s1;
	[sflag:s0] =	ssyncset.done @!p0 $0x0  }
0x1d0: {  	[sflag:s0] =	ssyncadd.s32 @!p0 s1  }
0x1d1: {  	[bflag:$0x3] =	sbarrier.arrive $0xFFFF  }
0x1d2: {  	_ =	shalt  }

</sc_bundles>
